<compile_context>
chip_gen: v7x
topology: tpu7x:2x2x1
jax: 0.10.2.dev20260603
libtpu: 0.0.44.dev20260713+nightly
codegen_flags: <defaults>
</compile_context>

<pallas_src>
import jax
import jax.numpy as jnp
from jax import lax
from jax.experimental import pallas as pl
from jax.experimental.pallas import tpu as pltpu
from jax.experimental.pallas import tpu_sc as plsc

_D = _H = _W = 64
_EMB = 64
_ROW = 3 * _EMB
_NV = _EMB // 16
_NBUF = 2


def _body(d_hbm, h_hbm, w_hbm, out_hbm, tab_d, tab_h, tab_w, *rest):
    blks = rest[:_NBUF]
    sems = rest[_NBUF:]
    wid = lax.axis_index("s") * 2 + lax.axis_index("c")

    pltpu.sync_copy(d_hbm.at[pl.ds(0, _D)], tab_d)
    pltpu.sync_copy(h_hbm.at[pl.ds(0, _H)], tab_h)
    pltpu.sync_copy(w_hbm.at[pl.ds(0, _W)], tab_w)

    def fill_w(r, carry):
        for k in range(_NV):
            v = tab_w[r, pl.ds(16 * k, 16)]
            for blk in blks:
                blk[r, pl.ds(2 * _EMB + 16 * k, 16)] = v
        return carry
    lax.fori_loop(0, _W, fill_w, 0)

    def fill_h(h, blk):
        hv = [tab_h[h, pl.ds(16 * k, 16)] for k in range(_NV)]
        def body(r, carry):
            for k in range(_NV):
                blk[r, pl.ds(_EMB + 16 * k, 16)] = hv[k]
            return carry
        lax.fori_loop(0, _W, body, 0)

    for dd in range(2):
        d = wid * 2 + dd
        dv = [tab_d[d, pl.ds(16 * k, 16)] for k in range(_NV)]

        def fill_d(r, carry):
            for k in range(_NV):
                for blk in blks:
                    blk[r, pl.ds(16 * k, 16)] = dv[k]
            return carry
        lax.fori_loop(0, _W, fill_d, 0)

        base = d * (_H * _W)

        for p in range(_NBUF):
            fill_h(p, blks[p])
            pltpu.async_copy(
                blks[p], out_hbm.at[pl.ds(base + p * _W, _W)], sems[p])

        def step(h, p):
            pltpu.make_async_copy(
                blks[p], out_hbm.at[pl.ds(base, _W)], sems[p]).wait()
            fill_h(h, blks[p])
            pltpu.async_copy(
                blks[p], out_hbm.at[pl.ds(base + h * _W, _W)], sems[p])

        def pipe(i, carry):
            for p in range(_NBUF):
                step(i * _NBUF + p, p)
            return carry
        nround = _H // _NBUF
        lax.fori_loop(1, nround, pipe, 0)
        for t in range(nround * _NBUF, _H):
            step(t, t - nround * _NBUF)

        for p in range(_NBUF):
            pltpu.make_async_copy(
                blks[p], out_hbm.at[pl.ds(base, _W)], sems[p]).wait()


def kernel(depth, height, width, batch_size, d_emb, h_emb, w_emb):
    mesh = plsc.VectorSubcoreMesh(core_axis_name="c", subcore_axis_name="s")
    out = pl.kernel(
        _body,
        out_type=jax.ShapeDtypeStruct((_D * _H * _W, _ROW), jnp.float32),
        mesh=mesh,
        scratch_types=(
            [pltpu.VMEM((_D, _EMB), jnp.float32)] * 3
            + [pltpu.VMEM((_W, _ROW), jnp.float32)] * _NBUF
            + [pltpu.SemaphoreType.DMA] * _NBUF
        ),
    )(d_emb, h_emb, w_emb)
    return out.reshape(1, _D * _H * _W, _ROW)

# --- scband reference (transcript-rebuilt; emitter-appended) ---
"""Pipeline reference for scband-factorized-positional-embedding3-d-18588618457664 (READ-ONLY COPY).

The authoritative reference and input builder live on the scoring server;
editing this copy changes nothing except your own understanding.
"""

import jax, jax.numpy as jnp
import numpy as np

MAX_D, MAX_H, MAX_W = 128, 128, 128
EMB_DIM = 64

def setup_inputs(seed: int = 0) -> dict:
    key = jax.random.key(seed)
    k1, k2, k3 = jax.random.split(key, 3)
    d_emb = jax.random.normal(k1, (MAX_D, EMB_DIM), dtype=jnp.float32) * 0.02
    h_emb = jax.random.normal(k2, (MAX_H, EMB_DIM), dtype=jnp.float32) * 0.02
    w_emb = jax.random.normal(k3, (MAX_W, EMB_DIM), dtype=jnp.float32) * 0.02
    return {"depth": 64, "height": 64, "width": 64, "batch_size": 1,
            "d_emb": d_emb, "h_emb": h_emb, "w_emb": w_emb}

def reference(depth, height, width, batch_size, d_emb, h_emb, w_emb):
    d = min(64, MAX_D)
    h = min(64, MAX_H)
    w = min(64, MAX_W)
    d_idx = jnp.arange(d)
    h_idx = jnp.arange(h)
    w_idx = jnp.arange(w)
    d_grid, h_grid, w_grid = jnp.meshgrid(d_idx, h_idx, w_idx, indexing='ij')
    d_pos = jnp.take(d_emb, d_grid.reshape(-1), axis=0).reshape(d, h, w, -1)
    h_pos = jnp.take(h_emb, h_grid.reshape(-1), axis=0).reshape(d, h, w, -1)
    w_pos = jnp.take(w_emb, w_grid.reshape(-1), axis=0).reshape(d, h, w, -1)
    pos_emb = jnp.concatenate([d_pos, h_pos, w_pos], axis=-1)
    pos_emb = pos_emb.reshape(-1, pos_emb.shape[-1])
    # dropout in eval mode -> identity (deterministic reference)
    zero = (jnp.asarray(depth) + jnp.asarray(height) + jnp.asarray(width)
            + jnp.asarray(batch_size)).astype(pos_emb.dtype) * 0.0
    out = jnp.broadcast_to(pos_emb[None, :, :], (1, pos_emb.shape[0], pos_emb.shape[1])) + zero
    return out

if __name__ == "__main__":
    import jax
    _d = setup_inputs()
    print(jax.jit(kernel)(*tuple(_d.values())))

</pallas_src>

<mosaic_0001>
#map = affine_map<(d0, d1) -> (0, 0)>
module attributes {stable_mosaic.version = 14 : i64} {
  func.func @_body(%arg0: i32, %arg1: i32, %arg2: memref<128x64xf32, #tpu.memory_space<hbm>>, %arg3: memref<128x64xf32, #tpu.memory_space<hbm>>, %arg4: memref<128x64xf32, #tpu.memory_space<hbm>>, %arg5: memref<262144x192xf32, #tpu.memory_space<hbm>>, %arg6: memref<64x64xf32, #tpu.memory_space<vmem>>, %arg7: memref<64x64xf32, #tpu.memory_space<vmem>>, %arg8: memref<64x64xf32, #tpu.memory_space<vmem>>, %arg9: memref<64x192xf32, #tpu.memory_space<vmem>>, %arg10: memref<64x192xf32, #tpu.memory_space<vmem>>, %arg11: memref<!tpu.dma_semaphore, #tpu.memory_space<semaphore_mem>>, %arg12: memref<!tpu.dma_semaphore, #tpu.memory_space<semaphore_mem>>) attributes {dimension_semantics = [#tpu.dimension_semantics<core_parallel>, #tpu.dimension_semantics<subcore_parallel>], iteration_bounds = array<i64: 2, 16>, scalar_prefetch = 0 : i64, scratch_operands = 7 : i64, tpu.core_type = #tpu.core_type<sc_vector_subcore>, window_params = [{transform_indices = #map}, {transform_indices = #map}, {transform_indices = #map}, {transform_indices = #map}]} {
    %mul3A = arith.constant 2 : i32
    %mul3A_0 = arith.muli %arg1, %mul3A : i32
    %add3A = arith.addi %mul3A_0, %arg0 : i32
    "tpu.region"() ({
      %run_scoped3A = tpu.sem_alloc : memref<!tpu.dma_semaphore, #tpu.memory_space<semaphore_mem>>
      %dma_start3A_215 = arith.constant 0 : i32
      %dma_start3A_216 = arith.constant 0 : i32
      %dma_start3A_217 = tpu.memref_slice %arg2[%dma_start3A_215, %dma_start3A_216] : memref<128x64xf32, #tpu.memory_space<hbm>> -> memref<64x64xf32, #tpu.memory_space<hbm>>
      %dma_start3A_218 = arith.constant 0 : i32
      %dma_start3A_219 = arith.constant 0 : i32
      %dma_start3A_220 = tpu.memref_slice %arg2[%dma_start3A_218, %dma_start3A_219] : memref<128x64xf32, #tpu.memory_space<hbm>> -> memref<64x64xf32, #tpu.memory_space<hbm>>
      tpu.enqueue_dma source(%dma_start3A_220 : memref<64x64xf32, #tpu.memory_space<hbm>>) target(%arg6 : memref<64x64xf32, #tpu.memory_space<vmem>>) target_semaphore(%run_scoped3A : memref<!tpu.dma_semaphore, #tpu.memory_space<semaphore_mem>>)
      %dma_wait3A_221 = arith.constant 0 : i32
      %dma_wait3A_222 = arith.constant 0 : i32
      %dma_wait3A_223 = tpu.memref_slice %arg2[%dma_wait3A_221, %dma_wait3A_222] : memref<128x64xf32, #tpu.memory_space<hbm>> -> memref<64x64xf32, #tpu.memory_space<hbm>>
      %dma_wait3A_224 = arith.constant 0 : i32
      %dma_wait3A_225 = arith.constant 0 : i32
      %dma_wait3A_226 = tpu.memref_slice %arg2[%dma_wait3A_224, %dma_wait3A_225] : memref<128x64xf32, #tpu.memory_space<hbm>> -> memref<64x64xf32, #tpu.memory_space<hbm>>
      tpu.wait_dma2 semaphore(%run_scoped3A : memref<!tpu.dma_semaphore, #tpu.memory_space<semaphore_mem>>) src(%dma_wait3A_226 : memref<64x64xf32, #tpu.memory_space<hbm>>) dst(%arg6 : memref<64x64xf32, #tpu.memory_space<vmem>>)
      tpu.yield
    }) : () -> ()
    "tpu.region"() ({
      %run_scoped3A = tpu.sem_alloc : memref<!tpu.dma_semaphore, #tpu.memory_space<semaphore_mem>>
      %dma_start3A_215 = arith.constant 0 : i32
      %dma_start3A_216 = arith.constant 0 : i32
      %dma_start3A_217 = tpu.memref_slice %arg3[%dma_start3A_215, %dma_start3A_216] : memref<128x64xf32, #tpu.memory_space<hbm>> -> memref<64x64xf32, #tpu.memory_space<hbm>>
      %dma_start3A_218 = arith.constant 0 : i32
      %dma_start3A_219 = arith.constant 0 : i32
      %dma_start3A_220 = tpu.memref_slice %arg3[%dma_start3A_218, %dma_start3A_219] : memref<128x64xf32, #tpu.memory_space<hbm>> -> memref<64x64xf32, #tpu.memory_space<hbm>>
      tpu.enqueue_dma source(%dma_start3A_220 : memref<64x64xf32, #tpu.memory_space<hbm>>) target(%arg7 : memref<64x64xf32, #tpu.memory_space<vmem>>) target_semaphore(%run_scoped3A : memref<!tpu.dma_semaphore, #tpu.memory_space<semaphore_mem>>)
      %dma_wait3A_221 = arith.constant 0 : i32
      %dma_wait3A_222 = arith.constant 0 : i32
      %dma_wait3A_223 = tpu.memref_slice %arg3[%dma_wait3A_221, %dma_wait3A_222] : memref<128x64xf32, #tpu.memory_space<hbm>> -> memref<64x64xf32, #tpu.memory_space<hbm>>
      %dma_wait3A_224 = arith.constant 0 : i32
      %dma_wait3A_225 = arith.constant 0 : i32
      %dma_wait3A_226 = tpu.memref_slice %arg3[%dma_wait3A_224, %dma_wait3A_225] : memref<128x64xf32, #tpu.memory_space<hbm>> -> memref<64x64xf32, #tpu.memory_space<hbm>>
      tpu.wait_dma2 semaphore(%run_scoped3A : memref<!tpu.dma_semaphore, #tpu.memory_space<semaphore_mem>>) src(%dma_wait3A_226 : memref<64x64xf32, #tpu.memory_space<hbm>>) dst(%arg7 : memref<64x64xf32, #tpu.memory_space<vmem>>)
      tpu.yield
    }) : () -> ()
    "tpu.region"() ({
      %run_scoped3A = tpu.sem_alloc : memref<!tpu.dma_semaphore, #tpu.memory_space<semaphore_mem>>
      %dma_start3A_215 = arith.constant 0 : i32
      %dma_start3A_216 = arith.constant 0 : i32
      %dma_start3A_217 = tpu.memref_slice %arg4[%dma_start3A_215, %dma_start3A_216] : memref<128x64xf32, #tpu.memory_space<hbm>> -> memref<64x64xf32, #tpu.memory_space<hbm>>
      %dma_start3A_218 = arith.constant 0 : i32
      %dma_start3A_219 = arith.constant 0 : i32
      %dma_start3A_220 = tpu.memref_slice %arg4[%dma_start3A_218, %dma_start3A_219] : memref<128x64xf32, #tpu.memory_space<hbm>> -> memref<64x64xf32, #tpu.memory_space<hbm>>
      tpu.enqueue_dma source(%dma_start3A_220 : memref<64x64xf32, #tpu.memory_space<hbm>>) target(%arg8 : memref<64x64xf32, #tpu.memory_space<vmem>>) target_semaphore(%run_scoped3A : memref<!tpu.dma_semaphore, #tpu.memory_space<semaphore_mem>>)
      %dma_wait3A_221 = arith.constant 0 : i32
      %dma_wait3A_222 = arith.constant 0 : i32
      %dma_wait3A_223 = tpu.memref_slice %arg4[%dma_wait3A_221, %dma_wait3A_222] : memref<128x64xf32, #tpu.memory_space<hbm>> -> memref<64x64xf32, #tpu.memory_space<hbm>>
      %dma_wait3A_224 = arith.constant 0 : i32
      %dma_wait3A_225 = arith.constant 0 : i32
      %dma_wait3A_226 = tpu.memref_slice %arg4[%dma_wait3A_224, %dma_wait3A_225] : memref<128x64xf32, #tpu.memory_space<hbm>> -> memref<64x64xf32, #tpu.memory_space<hbm>>
      tpu.wait_dma2 semaphore(%run_scoped3A : memref<!tpu.dma_semaphore, #tpu.memory_space<semaphore_mem>>) src(%dma_wait3A_226 : memref<64x64xf32, #tpu.memory_space<hbm>>) dst(%arg8 : memref<64x64xf32, #tpu.memory_space<vmem>>)
      tpu.yield
    }) : () -> ()
    %scan3A = arith.constant 0 : i32
    %scan3A_1 = arith.constant 0 : i32
    %scan3A_2 = arith.constant 64 : i32
    %scan3A_3 = arith.addi %scan3A_1, %scan3A_2 : i32
    %scan3A_4 = arith.constant 1 : i32
    scf.for %scan3A_215 = %scan3A_1 to %scan3A_3 step %scan3A_4  : i32 {
      %get3A_216 = arith.index_cast %scan3A_215 : i32 to index
      %get3A_217 = arith.constant 0 : index
      %get3A_218 = tpu.vector_load %arg8[%get3A_216, %get3A_217] {strides = array<i32>} : memref<64x64xf32, #tpu.memory_space<vmem>>, vector<1x16xf32>,
      %get3A_219 = vector.shape_cast %get3A_218 : vector<1x16xf32> to vector<16xf32>
      %swap3A = arith.index_cast %scan3A_215 : i32 to index
      %swap3A_220 = arith.constant 128 : index
      %swap3A_221 = tpu.vector_load %arg9[%swap3A, %swap3A_220] {strides = array<i32>} : memref<64x192xf32, #tpu.memory_space<vmem>>, vector<1x16xf32>,
      %swap3A_222 = vector.shape_cast %swap3A_221 : vector<1x16xf32> to vector<16xf32>
      %swap3A_223 = vector.shape_cast %get3A_219 : vector<16xf32> to vector<1x16xf32>
      tpu.vector_store %arg9[%swap3A, %swap3A_220], %swap3A_223 {strides = array<i32>} : memref<64x192xf32, #tpu.memory_space<vmem>>, vector<1x16xf32>,
      %swap3A_224 = arith.index_cast %scan3A_215 : i32 to index
      %swap3A_225 = arith.constant 128 : index
      %swap3A_226 = tpu.vector_load %arg10[%swap3A_224, %swap3A_225] {strides = array<i32>} : memref<64x192xf32, #tpu.memory_space<vmem>>, vector<1x16xf32>,
      %swap3A_227 = vector.shape_cast %swap3A_226 : vector<1x16xf32> to vector<16xf32>
      %swap3A_228 = vector.shape_cast %get3A_219 : vector<16xf32> to vector<1x16xf32>
      tpu.vector_store %arg10[%swap3A_224, %swap3A_225], %swap3A_228 {strides = array<i32>} : memref<64x192xf32, #tpu.memory_space<vmem>>, vector<1x16xf32>,
      %get3A_229 = arith.index_cast %scan3A_215 : i32 to index
      %get3A_230 = arith.constant 16 : index
      %get3A_231 = tpu.vector_load %arg8[%get3A_229, %get3A_230] {strides = array<i32>} : memref<64x64xf32, #tpu.memory_space<vmem>>, vector<1x16xf32>,
      %get3A_232 = vector.shape_cast %get3A_231 : vector<1x16xf32> to vector<16xf32>
      %swap3A_233 = arith.index_cast %scan3A_215 : i32 to index
      %swap3A_234 = arith.constant 144 : index
      %swap3A_235 = tpu.vector_load %arg9[%swap3A_233, %swap3A_234] {strides = array<i32>} : memref<64x192xf32, #tpu.memory_space<vmem>>, vector<1x16xf32>,
      %swap3A_236 = vector.shape_cast %swap3A_235 : vector<1x16xf32> to vector<16xf32>
      %swap3A_237 = vector.shape_cast %get3A_232 : vector<16xf32> to vector<1x16xf32>
      tpu.vector_store %arg9[%swap3A_233, %swap3A_234], %swap3A_237 {strides = array<i32>} : memref<64x192xf32, #tpu.memory_space<vmem>>, vector<1x16xf32>,
      %swap3A_238 = arith.index_cast %scan3A_215 : i32 to index
      %swap3A_239 = arith.constant 144 : index
      %swap3A_240 = tpu.vector_load %arg10[%swap3A_238, %swap3A_239] {strides = array<i32>} : memref<64x192xf32, #tpu.memory_space<vmem>>, vector<1x16xf32>,
      %swap3A_241 = vector.shape_cast %swap3A_240 : vector<1x16xf32> to vector<16xf32>
      %swap3A_242 = vector.shape_cast %get3A_232 : vector<16xf32> to vector<1x16xf32>
      tpu.vector_store %arg10[%swap3A_238, %swap3A_239], %swap3A_242 {strides = array<i32>} : memref<64x192xf32, #tpu.memory_space<vmem>>, vector<1x16xf32>,
      %get3A_243 = arith.index_cast %scan3A_215 : i32 to index
      %get3A_244 = arith.constant 32 : index
      %get3A_245 = tpu.vector_load %arg8[%get3A_243, %get3A_244] {strides = array<i32>} : memref<64x64xf32, #tpu.memory_space<vmem>>, vector<1x16xf32>,
      %get3A_246 = vector.shape_cast %get3A_245 : vector<1x16xf32> to vector<16xf32>
      %swap3A_247 = arith.index_cast %scan3A_215 : i32 to index
      %swap3A_248 = arith.constant 160 : index
      %swap3A_249 = tpu.vector_load %arg9[%swap3A_247, %swap3A_248] {strides = array<i32>} : memref<64x192xf32, #tpu.memory_space<vmem>>, vector<1x16xf32>,
      %swap3A_250 = vector.shape_cast %swap3A_249 : vector<1x16xf32> to vector<16xf32>
      %swap3A_251 = vector.shape_cast %get3A_246 : vector<16xf32> to vector<1x16xf32>
      tpu.vector_store %arg9[%swap3A_247, %swap3A_248], %swap3A_251 {strides = array<i32>} : memref<64x192xf32, #tpu.memory_space<vmem>>, vector<1x16xf32>,
      %swap3A_252 = arith.index_cast %scan3A_215 : i32 to index
      %swap3A_253 = arith.constant 160 : index
      %swap3A_254 = tpu.vector_load %arg10[%swap3A_252, %swap3A_253] {strides = array<i32>} : memref<64x192xf32, #tpu.memory_space<vmem>>, vector<1x16xf32>,
      %swap3A_255 = vector.shape_cast %swap3A_254 : vector<1x16xf32> to vector<16xf32>
      %swap3A_256 = vector.shape_cast %get3A_246 : vector<16xf32> to vector<1x16xf32>
      tpu.vector_store %arg10[%swap3A_252, %swap3A_253], %swap3A_256 {strides = array<i32>} : memref<64x192xf32, #tpu.memory_space<vmem>>, vector<1x16xf32>,
      %get3A_257 = arith.index_cast %scan3A_215 : i32 to index
      %get3A_258 = arith.constant 48 : index
      %get3A_259 = tpu.vector_load %arg8[%get3A_257, %get3A_258] {strides = array<i32>} : memref<64x64xf32, #tpu.memory_space<vmem>>, vector<1x16xf32>,
      %get3A_260 = vector.shape_cast %get3A_259 : vector<1x16xf32> to vector<16xf32>
      %swap3A_261 = arith.index_cast %scan3A_215 : i32 to index
      %swap3A_262 = arith.constant 176 : index
      %swap3A_263 = tpu.vector_load %arg9[%swap3A_261, %swap3A_262] {strides = array<i32>} : memref<64x192xf32, #tpu.memory_space<vmem>>, vector<1x16xf32>,
      %swap3A_264 = vector.shape_cast %swap3A_263 : vector<1x16xf32> to vector<16xf32>
      %swap3A_265 = vector.shape_cast %get3A_260 : vector<16xf32> to vector<1x16xf32>
      tpu.vector_store %arg9[%swap3A_261, %swap3A_262], %swap3A_265 {strides = array<i32>} : memref<64x192xf32, #tpu.memory_space<vmem>>, vector<1x16xf32>,
      %swap3A_266 = arith.index_cast %scan3A_215 : i32 to index
      %swap3A_267 = arith.constant 176 : index
      %swap3A_268 = tpu.vector_load %arg10[%swap3A_266, %swap3A_267] {strides = array<i32>} : memref<64x192xf32, #tpu.memory_space<vmem>>, vector<1x16xf32>,
      %swap3A_269 = vector.shape_cast %swap3A_268 : vector<1x16xf32> to vector<16xf32>
      %swap3A_270 = vector.shape_cast %get3A_260 : vector<16xf32> to vector<1x16xf32>
      tpu.vector_store %arg10[%swap3A_266, %swap3A_267], %swap3A_270 {strides = array<i32>} : memref<64x192xf32, #tpu.memory_space<vmem>>, vector<1x16xf32>,
    }
    %scan3A_5 = arith.constant 64 : i32
    %mul3A_6 = arith.constant 2 : i32
    %mul3A_7 = arith.muli %add3A, %mul3A_6 : i32
    %add3A_8 = arith.constant 0 : i32
    %add3A_9 = arith.addi %mul3A_7, %add3A_8 : i32
    %get3A = arith.index_cast %add3A_9 : i32 to index
    %get3A_10 = arith.constant 0 : index
    %get3A_11 = tpu.vector_load %arg6[%get3A, %get3A_10] {strides = array<i32>} : memref<64x64xf32, #tpu.memory_space<vmem>>, vector<1x16xf32>,
    %get3A_12 = vector.shape_cast %get3A_11 : vector<1x16xf32> to vector<16xf32>
    %get3A_13 = arith.index_cast %add3A_9 : i32 to index
    %get3A_14 = arith.constant 16 : index
    %get3A_15 = tpu.vector_load %arg6[%get3A_13, %get3A_14] {strides = array<i32>} : memref<64x64xf32, #tpu.memory_space<vmem>>, vector<1x16xf32>,
    %get3A_16 = vector.shape_cast %get3A_15 : vector<1x16xf32> to vector<16xf32>
    %get3A_17 = arith.index_cast %add3A_9 : i32 to index
    %get3A_18 = arith.constant 32 : index
    %get3A_19 = tpu.vector_load %arg6[%get3A_17, %get3A_18] {strides = array<i32>} : memref<64x64xf32, #tpu.memory_space<vmem>>, vector<1x16xf32>,
    %get3A_20 = vector.shape_cast %get3A_19 : vector<1x16xf32> to vector<16xf32>
    %get3A_21 = arith.index_cast %add3A_9 : i32 to index
    %get3A_22 = arith.constant 48 : index
    %get3A_23 = tpu.vector_load %arg6[%get3A_21, %get3A_22] {strides = array<i32>} : memref<64x64xf32, #tpu.memory_space<vmem>>, vector<1x16xf32>,
    %get3A_24 = vector.shape_cast %get3A_23 : vector<1x16xf32> to vector<16xf32>
    %scan3A_25 = arith.constant 0 : i32
    %scan3A_26 = arith.constant 0 : i32
    %scan3A_27 = arith.constant 64 : i32
    %scan3A_28 = arith.addi %scan3A_26, %scan3A_27 : i32
    %scan3A_29 = arith.constant 1 : i32
    scf.for %scan3A_215 = %scan3A_26 to %scan3A_28 step %scan3A_29  : i32 {
      %swap3A = arith.index_cast %scan3A_215 : i32 to index
      %swap3A_216 = arith.constant 0 : index
      %swap3A_217 = tpu.vector_load %arg9[%swap3A, %swap3A_216] {strides = array<i32>} : memref<64x192xf32, #tpu.memory_space<vmem>>, vector<1x16xf32>,
      %swap3A_218 = vector.shape_cast %swap3A_217 : vector<1x16xf32> to vector<16xf32>
      %swap3A_219 = vector.shape_cast %get3A_12 : vector<16xf32> to vector<1x16xf32>
      tpu.vector_store %arg9[%swap3A, %swap3A_216], %swap3A_219 {strides = array<i32>} : memref<64x192xf32, #tpu.memory_space<vmem>>, vector<1x16xf32>,
      %swap3A_220 = arith.index_cast %scan3A_215 : i32 to index
      %swap3A_221 = arith.constant 0 : index
      %swap3A_222 = tpu.vector_load %arg10[%swap3A_220, %swap3A_221] {strides = array<i32>} : memref<64x192xf32, #tpu.memory_space<vmem>>, vector<1x16xf32>,
      %swap3A_223 = vector.shape_cast %swap3A_222 : vector<1x16xf32> to vector<16xf32>
      %swap3A_224 = vector.shape_cast %get3A_12 : vector<16xf32> to vector<1x16xf32>
      tpu.vector_store %arg10[%swap3A_220, %swap3A_221], %swap3A_224 {strides = array<i32>} : memref<64x192xf32, #tpu.memory_space<vmem>>, vector<1x16xf32>,
      %swap3A_225 = arith.index_cast %scan3A_215 : i32 to index
      %swap3A_226 = arith.constant 16 : index
      %swap3A_227 = tpu.vector_load %arg9[%swap3A_225, %swap3A_226] {strides = array<i32>} : memref<64x192xf32, #tpu.memory_space<vmem>>, vector<1x16xf32>,
      %swap3A_228 = vector.shape_cast %swap3A_227 : vector<1x16xf32> to vector<16xf32>
      %swap3A_229 = vector.shape_cast %get3A_16 : vector<16xf32> to vector<1x16xf32>
      tpu.vector_store %arg9[%swap3A_225, %swap3A_226], %swap3A_229 {strides = array<i32>} : memref<64x192xf32, #tpu.memory_space<vmem>>, vector<1x16xf32>,
      %swap3A_230 = arith.index_cast %scan3A_215 : i32 to index
      %swap3A_231 = arith.constant 16 : index
      %swap3A_232 = tpu.vector_load %arg10[%swap3A_230, %swap3A_231] {strides = array<i32>} : memref<64x192xf32, #tpu.memory_space<vmem>>, vector<1x16xf32>,
      %swap3A_233 = vector.shape_cast %swap3A_232 : vector<1x16xf32> to vector<16xf32>
      %swap3A_234 = vector.shape_cast %get3A_16 : vector<16xf32> to vector<1x16xf32>
      tpu.vector_store %arg10[%swap3A_230, %swap3A_231], %swap3A_234 {strides = array<i32>} : memref<64x192xf32, #tpu.memory_space<vmem>>, vector<1x16xf32>,
      %swap3A_235 = arith.index_cast %scan3A_215 : i32 to index
      %swap3A_236 = arith.constant 32 : index
      %swap3A_237 = tpu.vector_load %arg9[%swap3A_235, %swap3A_236] {strides = array<i32>} : memref<64x192xf32, #tpu.memory_space<vmem>>, vector<1x16xf32>,
      %swap3A_238 = vector.shape_cast %swap3A_237 : vector<1x16xf32> to vector<16xf32>
      %swap3A_239 = vector.shape_cast %get3A_20 : vector<16xf32> to vector<1x16xf32>
      tpu.vector_store %arg9[%swap3A_235, %swap3A_236], %swap3A_239 {strides = array<i32>} : memref<64x192xf32, #tpu.memory_space<vmem>>, vector<1x16xf32>,
      %swap3A_240 = arith.index_cast %scan3A_215 : i32 to index
      %swap3A_241 = arith.constant 32 : index
      %swap3A_242 = tpu.vector_load %arg10[%swap3A_240, %swap3A_241] {strides = array<i32>} : memref<64x192xf32, #tpu.memory_space<vmem>>, vector<1x16xf32>,
      %swap3A_243 = vector.shape_cast %swap3A_242 : vector<1x16xf32> to vector<16xf32>
      %swap3A_244 = vector.shape_cast %get3A_20 : vector<16xf32> to vector<1x16xf32>
      tpu.vector_store %arg10[%swap3A_240, %swap3A_241], %swap3A_244 {strides = array<i32>} : memref<64x192xf32, #tpu.memory_space<vmem>>, vector<1x16xf32>,
      %swap3A_245 = arith.index_cast %scan3A_215 : i32 to index
      %swap3A_246 = arith.constant 48 : index
      %swap3A_247 = tpu.vector_load %arg9[%swap3A_245, %swap3A_246] {strides = array<i32>} : memref<64x192xf32, #tpu.memory_space<vmem>>, vector<1x16xf32>,
      %swap3A_248 = vector.shape_cast %swap3A_247 : vector<1x16xf32> to vector<16xf32>
      %swap3A_249 = vector.shape_cast %get3A_24 : vector<16xf32> to vector<1x16xf32>
      tpu.vector_store %arg9[%swap3A_245, %swap3A_246], %swap3A_249 {strides = array<i32>} : memref<64x192xf32, #tpu.memory_space<vmem>>, vector<1x16xf32>,
      %swap3A_250 = arith.index_cast %scan3A_215 : i32 to index
      %swap3A_251 = arith.constant 48 : index
      %swap3A_252 = tpu.vector_load %arg10[%swap3A_250, %swap3A_251] {strides = array<i32>} : memref<64x192xf32, #tpu.memory_space<vmem>>, vector<1x16xf32>,
      %swap3A_253 = vector.shape_cast %swap3A_252 : vector<1x16xf32> to vector<16xf32>
      %swap3A_254 = vector.shape_cast %get3A_24 : vector<16xf32> to vector<1x16xf32>
      tpu.vector_store %arg10[%swap3A_250, %swap3A_251], %swap3A_254 {strides = array<i32>} : memref<64x192xf32, #tpu.memory_space<vmem>>, vector<1x16xf32>,
    }
    %scan3A_30 = arith.constant 64 : i32
    %mul3A_31 = arith.constant 4096 : i32
    %mul3A_32 = arith.muli %add3A_9, %mul3A_31 : i32
    %get3A_33 = arith.constant 0 : i32
    %get3A_34 = arith.index_cast %get3A_33 : i32 to index
    %get3A_35 = arith.constant 0 : index
    %get3A_36 = tpu.vector_load %arg7[%get3A_34, %get3A_35] {strides = array<i32>} : memref<64x64xf32, #tpu.memory_space<vmem>>, vector<1x16xf32>,
    %get3A_37 = vector.shape_cast %get3A_36 : vector<1x16xf32> to vector<16xf32>
    %get3A_38 = arith.constant 0 : i32
    %get3A_39 = arith.index_cast %get3A_38 : i32 to index
    %get3A_40 = arith.constant 16 : index
    %get3A_41 = tpu.vector_load %arg7[%get3A_39, %get3A_40] {strides = array<i32>} : memref<64x64xf32, #tpu.memory_space<vmem>>, vector<1x16xf32>,
    %get3A_42 = vector.shape_cast %get3A_41 : vector<1x16xf32> to vector<16xf32>
    %get3A_43 = arith.constant 0 : i32
    %get3A_44 = arith.index_cast %get3A_43 : i32 to index
    %get3A_45 = arith.constant 32 : index
    %get3A_46 = tpu.vector_load %arg7[%get3A_44, %get3A_45] {strides = array<i32>} : memref<64x64xf32, #tpu.memory_space<vmem>>, vector<1x16xf32>,
    %get3A_47 = vector.shape_cast %get3A_46 : vector<1x16xf32> to vector<16xf32>
    %get3A_48 = arith.constant 0 : i32
    %get3A_49 = arith.index_cast %get3A_48 : i32 to index
    %get3A_50 = arith.constant 48 : index
    %get3A_51 = tpu.vector_load %arg7[%get3A_49, %get3A_50] {strides = array<i32>} : memref<64x64xf32, #tpu.memory_space<vmem>>, vector<1x16xf32>,
    %get3A_52 = vector.shape_cast %get3A_51 : vector<1x16xf32> to vector<16xf32>
    %scan3A_53 = arith.constant 0 : i32
    %scan3A_54 = arith.constant 0 : i32
    %scan3A_55 = arith.constant 64 : i32
    %scan3A_56 = arith.addi %scan3A_54, %scan3A_55 : i32
    %scan3A_57 = arith.constant 1 : i32
    scf.for %scan3A_215 = %scan3A_54 to %scan3A_56 step %scan3A_57  : i32 {
      %swap3A = arith.index_cast %scan3A_215 : i32 to index
      %swap3A_216 = arith.constant 64 : index
      %swap3A_217 = tpu.vector_load %arg9[%swap3A, %swap3A_216] {strides = array<i32>} : memref<64x192xf32, #tpu.memory_space<vmem>>, vector<1x16xf32>,
      %swap3A_218 = vector.shape_cast %swap3A_217 : vector<1x16xf32> to vector<16xf32>
      %swap3A_219 = vector.shape_cast %get3A_37 : vector<16xf32> to vector<1x16xf32>
      tpu.vector_store %arg9[%swap3A, %swap3A_216], %swap3A_219 {strides = array<i32>} : memref<64x192xf32, #tpu.memory_space<vmem>>, vector<1x16xf32>,
      %swap3A_220 = arith.index_cast %scan3A_215 : i32 to index
      %swap3A_221 = arith.constant 80 : index
      %swap3A_222 = tpu.vector_load %arg9[%swap3A_220, %swap3A_221] {strides = array<i32>} : memref<64x192xf32, #tpu.memory_space<vmem>>, vector<1x16xf32>,
      %swap3A_223 = vector.shape_cast %swap3A_222 : vector<1x16xf32> to vector<16xf32>
      %swap3A_224 = vector.shape_cast %get3A_42 : vector<16xf32> to vector<1x16xf32>
      tpu.vector_store %arg9[%swap3A_220, %swap3A_221], %swap3A_224 {strides = array<i32>} : memref<64x192xf32, #tpu.memory_space<vmem>>, vector<1x16xf32>,
      %swap3A_225 = arith.index_cast %scan3A_215 : i32 to index
      %swap3A_226 = arith.constant 96 : index
      %swap3A_227 = tpu.vector_load %arg9[%swap3A_225, %swap3A_226] {strides = array<i32>} : memref<64x192xf32, #tpu.memory_space<vmem>>, vector<1x16xf32>,
      %swap3A_228 = vector.shape_cast %swap3A_227 : vector<1x16xf32> to vector<16xf32>
      %swap3A_229 = vector.shape_cast %get3A_47 : vector<16xf32> to vector<1x16xf32>
      tpu.vector_store %arg9[%swap3A_225, %swap3A_226], %swap3A_229 {strides = array<i32>} : memref<64x192xf32, #tpu.memory_space<vmem>>, vector<1x16xf32>,
      %swap3A_230 = arith.index_cast %scan3A_215 : i32 to index
      %swap3A_231 = arith.constant 112 : index
      %swap3A_232 = tpu.vector_load %arg9[%swap3A_230, %swap3A_231] {strides = array<i32>} : memref<64x192xf32, #tpu.memory_space<vmem>>, vector<1x16xf32>,
      %swap3A_233 = vector.shape_cast %swap3A_232 : vector<1x16xf32> to vector<16xf32>
      %swap3A_234 = vector.shape_cast %get3A_52 : vector<16xf32> to vector<1x16xf32>
      tpu.vector_store %arg9[%swap3A_230, %swap3A_231], %swap3A_234 {strides = array<i32>} : memref<64x192xf32, #tpu.memory_space<vmem>>, vector<1x16xf32>,
    }
    %scan3A_58 = arith.constant 64 : i32
    %add3A_59 = arith.constant 0 : i32
    %add3A_60 = arith.addi %mul3A_32, %add3A_59 : i32
    %dma_start3A = arith.constant 0 : i32
    %dma_start3A_61 = tpu.memref_slice %arg5[%add3A_60, %dma_start3A] : memref<262144x192xf32, #tpu.memory_space<hbm>> -> memref<64x192xf32, #tpu.memory_space<hbm>>
    %dma_start3A_62 = arith.constant 0 : i32
    %dma_start3A_63 = tpu.memref_slice %arg5[%add3A_60, %dma_start3A_62] : memref<262144x192xf32, #tpu.memory_space<hbm>> -> memref<64x192xf32, #tpu.memory_space<hbm>>
    tpu.enqueue_dma source(%arg9 : memref<64x192xf32, #tpu.memory_space<vmem>>) target(%dma_start3A_63 : memref<64x192xf32, #tpu.memory_space<hbm>>) target_semaphore(%arg11 : memref<!tpu.dma_semaphore, #tpu.memory_space<semaphore_mem>>)
    %get3A_64 = arith.constant 1 : i32
    %get3A_65 = arith.index_cast %get3A_64 : i32 to index
    %get3A_66 = arith.constant 0 : index
    %get3A_67 = tpu.vector_load %arg7[%get3A_65, %get3A_66] {strides = array<i32>} : memref<64x64xf32, #tpu.memory_space<vmem>>, vector<1x16xf32>,
    %get3A_68 = vector.shape_cast %get3A_67 : vector<1x16xf32> to vector<16xf32>
    %get3A_69 = arith.constant 1 : i32
    %get3A_70 = arith.index_cast %get3A_69 : i32 to index
    %get3A_71 = arith.constant 16 : index
    %get3A_72 = tpu.vector_load %arg7[%get3A_70, %get3A_71] {strides = array<i32>} : memref<64x64xf32, #tpu.memory_space<vmem>>, vector<1x16xf32>,
    %get3A_73 = vector.shape_cast %get3A_72 : vector<1x16xf32> to vector<16xf32>
    %get3A_74 = arith.constant 1 : i32
    %get3A_75 = arith.index_cast %get3A_74 : i32 to index
    %get3A_76 = arith.constant 32 : index
    %get3A_77 = tpu.vector_load %arg7[%get3A_75, %get3A_76] {strides = array<i32>} : memref<64x64xf32, #tpu.memory_space<vmem>>, vector<1x16xf32>,
    %get3A_78 = vector.shape_cast %get3A_77 : vector<1x16xf32> to vector<16xf32>
    %get3A_79 = arith.constant 1 : i32
    %get3A_80 = arith.index_cast %get3A_79 : i32 to index
    %get3A_81 = arith.constant 48 : index
    %get3A_82 = tpu.vector_load %arg7[%get3A_80, %get3A_81] {strides = array<i32>} : memref<64x64xf32, #tpu.memory_space<vmem>>, vector<1x16xf32>,
    %get3A_83 = vector.shape_cast %get3A_82 : vector<1x16xf32> to vector<16xf32>
    %scan3A_84 = arith.constant 0 : i32
    %scan3A_85 = arith.constant 0 : i32
    %scan3A_86 = arith.constant 64 : i32
    %scan3A_87 = arith.addi %scan3A_85, %scan3A_86 : i32
    %scan3A_88 = arith.constant 1 : i32
    scf.for %scan3A_215 = %scan3A_85 to %scan3A_87 step %scan3A_88  : i32 {
      %swap3A = arith.index_cast %scan3A_215 : i32 to index
      %swap3A_216 = arith.constant 64 : index
      %swap3A_217 = tpu.vector_load %arg10[%swap3A, %swap3A_216] {strides = array<i32>} : memref<64x192xf32, #tpu.memory_space<vmem>>, vector<1x16xf32>,
      %swap3A_218 = vector.shape_cast %swap3A_217 : vector<1x16xf32> to vector<16xf32>
      %swap3A_219 = vector.shape_cast %get3A_68 : vector<16xf32> to vector<1x16xf32>
      tpu.vector_store %arg10[%swap3A, %swap3A_216], %swap3A_219 {strides = array<i32>} : memref<64x192xf32, #tpu.memory_space<vmem>>, vector<1x16xf32>,
      %swap3A_220 = arith.index_cast %scan3A_215 : i32 to index
      %swap3A_221 = arith.constant 80 : index
      %swap3A_222 = tpu.vector_load %arg10[%swap3A_220, %swap3A_221] {strides = array<i32>} : memref<64x192xf32, #tpu.memory_space<vmem>>, vector<1x16xf32>,
      %swap3A_223 = vector.shape_cast %swap3A_222 : vector<1x16xf32> to vector<16xf32>
      %swap3A_224 = vector.shape_cast %get3A_73 : vector<16xf32> to vector<1x16xf32>
      tpu.vector_store %arg10[%swap3A_220, %swap3A_221], %swap3A_224 {strides = array<i32>} : memref<64x192xf32, #tpu.memory_space<vmem>>, vector<1x16xf32>,
      %swap3A_225 = arith.index_cast %scan3A_215 : i32 to index
      %swap3A_226 = arith.constant 96 : index
      %swap3A_227 = tpu.vector_load %arg10[%swap3A_225, %swap3A_226] {strides = array<i32>} : memref<64x192xf32, #tpu.memory_space<vmem>>, vector<1x16xf32>,
      %swap3A_228 = vector.shape_cast %swap3A_227 : vector<1x16xf32> to vector<16xf32>
      %swap3A_229 = vector.shape_cast %get3A_78 : vector<16xf32> to vector<1x16xf32>
      tpu.vector_store %arg10[%swap3A_225, %swap3A_226], %swap3A_229 {strides = array<i32>} : memref<64x192xf32, #tpu.memory_space<vmem>>, vector<1x16xf32>,
      %swap3A_230 = arith.index_cast %scan3A_215 : i32 to index
      %swap3A_231 = arith.constant 112 : index
      %swap3A_232 = tpu.vector_load %arg10[%swap3A_230, %swap3A_231] {strides = array<i32>} : memref<64x192xf32, #tpu.memory_space<vmem>>, vector<1x16xf32>,
      %swap3A_233 = vector.shape_cast %swap3A_232 : vector<1x16xf32> to vector<16xf32>
      %swap3A_234 = vector.shape_cast %get3A_83 : vector<16xf32> to vector<1x16xf32>
      tpu.vector_store %arg10[%swap3A_230, %swap3A_231], %swap3A_234 {strides = array<i32>} : memref<64x192xf32, #tpu.memory_space<vmem>>, vector<1x16xf32>,
    }
    %scan3A_89 = arith.constant 64 : i32
    %add3A_90 = arith.constant 64 : i32
    %add3A_91 = arith.addi %mul3A_32, %add3A_90 : i32
    %dma_start3A_92 = arith.constant 0 : i32
    %dma_start3A_93 = tpu.memref_slice %arg5[%add3A_91, %dma_start3A_92] : memref<262144x192xf32, #tpu.memory_space<hbm>> -> memref<64x192xf32, #tpu.memory_space<hbm>>
    %dma_start3A_94 = arith.constant 0 : i32
    %dma_start3A_95 = tpu.memref_slice %arg5[%add3A_91, %dma_start3A_94] : memref<262144x192xf32, #tpu.memory_space<hbm>> -> memref<64x192xf32, #tpu.memory_space<hbm>>
    tpu.enqueue_dma source(%arg10 : memref<64x192xf32, #tpu.memory_space<vmem>>) target(%dma_start3A_95 : memref<64x192xf32, #tpu.memory_space<hbm>>) target_semaphore(%arg12 : memref<!tpu.dma_semaphore, #tpu.memory_space<semaphore_mem>>)
    %scan3A_96 = arith.constant 0 : i32
    %scan3A_97 = arith.constant 1 : i32
    %scan3A_98 = arith.constant 31 : i32
    %scan3A_99 = arith.addi %scan3A_97, %scan3A_98 : i32
    %scan3A_100 = arith.constant 1 : i32
    scf.for %scan3A_215 = %scan3A_97 to %scan3A_99 step %scan3A_100  : i32 {
      %mul3A_216 = arith.constant 2 : i32
      %mul3A_217 = arith.muli %scan3A_215, %mul3A_216 : i32
      %add3A_218 = arith.constant 0 : i32
      %add3A_219 = arith.addi %mul3A_217, %add3A_218 : i32
      %dma_wait3A_220 = arith.constant 0 : i32
      %dma_wait3A_221 = tpu.memref_slice %arg5[%mul3A_32, %dma_wait3A_220] : memref<262144x192xf32, #tpu.memory_space<hbm>> -> memref<64x192xf32, #tpu.memory_space<hbm>>
      %dma_wait3A_222 = arith.constant 0 : i32
      %dma_wait3A_223 = tpu.memref_slice %arg5[%mul3A_32, %dma_wait3A_222] : memref<262144x192xf32, #tpu.memory_space<hbm>> -> memref<64x192xf32, #tpu.memory_space<hbm>>
      tpu.wait_dma2 semaphore(%arg11 : memref<!tpu.dma_semaphore, #tpu.memory_space<semaphore_mem>>) src(%arg9 : memref<64x192xf32, #tpu.memory_space<vmem>>) dst(%dma_wait3A_223 : memref<64x192xf32, #tpu.memory_space<hbm>>)
      %get3A_224 = arith.index_cast %add3A_219 : i32 to index
      %get3A_225 = arith.constant 0 : index
      %get3A_226 = tpu.vector_load %arg7[%get3A_224, %get3A_225] {strides = array<i32>} : memref<64x64xf32, #tpu.memory_space<vmem>>, vector<1x16xf32>,
      %get3A_227 = vector.shape_cast %get3A_226 : vector<1x16xf32> to vector<16xf32>
      %get3A_228 = arith.index_cast %add3A_219 : i32 to index
      %get3A_229 = arith.constant 16 : index
      %get3A_230 = tpu.vector_load %arg7[%get3A_228, %get3A_229] {strides = array<i32>} : memref<64x64xf32, #tpu.memory_space<vmem>>, vector<1x16xf32>,
      %get3A_231 = vector.shape_cast %get3A_230 : vector<1x16xf32> to vector<16xf32>
      %get3A_232 = arith.index_cast %add3A_219 : i32 to index
      %get3A_233 = arith.constant 32 : index
      %get3A_234 = tpu.vector_load %arg7[%get3A_232, %get3A_233] {strides = array<i32>} : memref<64x64xf32, #tpu.memory_space<vmem>>, vector<1x16xf32>,
      %get3A_235 = vector.shape_cast %get3A_234 : vector<1x16xf32> to vector<16xf32>
      %get3A_236 = arith.index_cast %add3A_219 : i32 to index
      %get3A_237 = arith.constant 48 : index
      %get3A_238 = tpu.vector_load %arg7[%get3A_236, %get3A_237] {strides = array<i32>} : memref<64x64xf32, #tpu.memory_space<vmem>>, vector<1x16xf32>,
      %get3A_239 = vector.shape_cast %get3A_238 : vector<1x16xf32> to vector<16xf32>
      %scan3A_240 = arith.constant 0 : i32
      %scan3A_241 = arith.constant 0 : i32
      %scan3A_242 = arith.constant 64 : i32
      %scan3A_243 = arith.addi %scan3A_241, %scan3A_242 : i32
      %scan3A_244 = arith.constant 1 : i32
      scf.for %scan3A_290 = %scan3A_241 to %scan3A_243 step %scan3A_244  : i32 {
        %swap3A = arith.index_cast %scan3A_290 : i32 to index
        %swap3A_291 = arith.constant 64 : index
        %swap3A_292 = tpu.vector_load %arg9[%swap3A, %swap3A_291] {strides = array<i32>} : memref<64x192xf32, #tpu.memory_space<vmem>>, vector<1x16xf32>,
        %swap3A_293 = vector.shape_cast %swap3A_292 : vector<1x16xf32> to vector<16xf32>
        %swap3A_294 = vector.shape_cast %get3A_227 : vector<16xf32> to vector<1x16xf32>
        tpu.vector_store %arg9[%swap3A, %swap3A_291], %swap3A_294 {strides = array<i32>} : memref<64x192xf32, #tpu.memory_space<vmem>>, vector<1x16xf32>,
        %swap3A_295 = arith.index_cast %scan3A_290 : i32 to index
        %swap3A_296 = arith.constant 80 : index
        %swap3A_297 = tpu.vector_load %arg9[%swap3A_295, %swap3A_296] {strides = array<i32>} : memref<64x192xf32, #tpu.memory_space<vmem>>, vector<1x16xf32>,
        %swap3A_298 = vector.shape_cast %swap3A_297 : vector<1x16xf32> to vector<16xf32>
        %swap3A_299 = vector.shape_cast %get3A_231 : vector<16xf32> to vector<1x16xf32>
        tpu.vector_store %arg9[%swap3A_295, %swap3A_296], %swap3A_299 {strides = array<i32>} : memref<64x192xf32, #tpu.memory_space<vmem>>, vector<1x16xf32>,
        %swap3A_300 = arith.index_cast %scan3A_290 : i32 to index
        %swap3A_301 = arith.constant 96 : index
        %swap3A_302 = tpu.vector_load %arg9[%swap3A_300, %swap3A_301] {strides = array<i32>} : memref<64x192xf32, #tpu.memory_space<vmem>>, vector<1x16xf32>,
        %swap3A_303 = vector.shape_cast %swap3A_302 : vector<1x16xf32> to vector<16xf32>
        %swap3A_304 = vector.shape_cast %get3A_235 : vector<16xf32> to vector<1x16xf32>
        tpu.vector_store %arg9[%swap3A_300, %swap3A_301], %swap3A_304 {strides = array<i32>} : memref<64x192xf32, #tpu.memory_space<vmem>>, vector<1x16xf32>,
        %swap3A_305 = arith.index_cast %scan3A_290 : i32 to index
        %swap3A_306 = arith.constant 112 : index
        %swap3A_307 = tpu.vector_load %arg9[%swap3A_305, %swap3A_306] {strides = array<i32>} : memref<64x192xf32, #tpu.memory_space<vmem>>, vector<1x16xf32>,
        %swap3A_308 = vector.shape_cast %swap3A_307 : vector<1x16xf32> to vector<16xf32>
        %swap3A_309 = vector.shape_cast %get3A_239 : vector<16xf32> to vector<1x16xf32>
        tpu.vector_store %arg9[%swap3A_305, %swap3A_306], %swap3A_309 {strides = array<i32>} : memref<64x192xf32, #tpu.memory_space<vmem>>, vector<1x16xf32>,
      }
      %scan3A_245 = arith.constant 64 : i32
      %mul3A_246 = arith.constant 64 : i32
      %mul3A_247 = arith.muli %add3A_219, %mul3A_246 : i32
      %add3A_248 = arith.addi %mul3A_32, %mul3A_247 : i32
      %dma_start3A_249 = arith.constant 0 : i32
      %dma_start3A_250 = tpu.memref_slice %arg5[%add3A_248, %dma_start3A_249] : memref<262144x192xf32, #tpu.memory_space<hbm>> -> memref<64x192xf32, #tpu.memory_space<hbm>>
      %dma_start3A_251 = arith.constant 0 : i32
      %dma_start3A_252 = tpu.memref_slice %arg5[%add3A_248, %dma_start3A_251] : memref<262144x192xf32, #tpu.memory_space<hbm>> -> memref<64x192xf32, #tpu.memory_space<hbm>>
      tpu.enqueue_dma source(%arg9 : memref<64x192xf32, #tpu.memory_space<vmem>>) target(%dma_start3A_252 : memref<64x192xf32, #tpu.memory_space<hbm>>) target_semaphore(%arg11 : memref<!tpu.dma_semaphore, #tpu.memory_space<semaphore_mem>>)
      %mul3A_253 = arith.constant 2 : i32
      %mul3A_254 = arith.muli %scan3A_215, %mul3A_253 : i32
      %add3A_255 = arith.constant 1 : i32
      %add3A_256 = arith.addi %mul3A_254, %add3A_255 : i32
      %dma_wait3A_257 = arith.constant 0 : i32
      %dma_wait3A_258 = tpu.memref_slice %arg5[%mul3A_32, %dma_wait3A_257] : memref<262144x192xf32, #tpu.memory_space<hbm>> -> memref<64x192xf32, #tpu.memory_space<hbm>>
      %dma_wait3A_259 = arith.constant 0 : i32
      %dma_wait3A_260 = tpu.memref_slice %arg5[%mul3A_32, %dma_wait3A_259] : memref<262144x192xf32, #tpu.memory_space<hbm>> -> memref<64x192xf32, #tpu.memory_space<hbm>>
      tpu.wait_dma2 semaphore(%arg12 : memref<!tpu.dma_semaphore, #tpu.memory_space<semaphore_mem>>) src(%arg10 : memref<64x192xf32, #tpu.memory_space<vmem>>) dst(%dma_wait3A_260 : memref<64x192xf32, #tpu.memory_space<hbm>>)
      %get3A_261 = arith.index_cast %add3A_256 : i32 to index
      %get3A_262 = arith.constant 0 : index
      %get3A_263 = tpu.vector_load %arg7[%get3A_261, %get3A_262] {strides = array<i32>} : memref<64x64xf32, #tpu.memory_space<vmem>>, vector<1x16xf32>,
      %get3A_264 = vector.shape_cast %get3A_263 : vector<1x16xf32> to vector<16xf32>
      %get3A_265 = arith.index_cast %add3A_256 : i32 to index
      %get3A_266 = arith.constant 16 : index
      %get3A_267 = tpu.vector_load %arg7[%get3A_265, %get3A_266] {strides = array<i32>} : memref<64x64xf32, #tpu.memory_space<vmem>>, vector<1x16xf32>,
      %get3A_268 = vector.shape_cast %get3A_267 : vector<1x16xf32> to vector<16xf32>
      %get3A_269 = arith.index_cast %add3A_256 : i32 to index
      %get3A_270 = arith.constant 32 : index
      %get3A_271 = tpu.vector_load %arg7[%get3A_269, %get3A_270] {strides = array<i32>} : memref<64x64xf32, #tpu.memory_space<vmem>>, vector<1x16xf32>,
      %get3A_272 = vector.shape_cast %get3A_271 : vector<1x16xf32> to vector<16xf32>
      %get3A_273 = arith.index_cast %add3A_256 : i32 to index
      %get3A_274 = arith.constant 48 : index
      %get3A_275 = tpu.vector_load %arg7[%get3A_273, %get3A_274] {strides = array<i32>} : memref<64x64xf32, #tpu.memory_space<vmem>>, vector<1x16xf32>,
      %get3A_276 = vector.shape_cast %get3A_275 : vector<1x16xf32> to vector<16xf32>
      %scan3A_277 = arith.constant 0 : i32
      %scan3A_278 = arith.constant 0 : i32
      %scan3A_279 = arith.constant 64 : i32
      %scan3A_280 = arith.addi %scan3A_278, %scan3A_279 : i32
      %scan3A_281 = arith.constant 1 : i32
      scf.for %scan3A_290 = %scan3A_278 to %scan3A_280 step %scan3A_281  : i32 {
        %swap3A = arith.index_cast %scan3A_290 : i32 to index
        %swap3A_291 = arith.constant 64 : index
        %swap3A_292 = tpu.vector_load %arg10[%swap3A, %swap3A_291] {strides = array<i32>} : memref<64x192xf32, #tpu.memory_space<vmem>>, vector<1x16xf32>,
        %swap3A_293 = vector.shape_cast %swap3A_292 : vector<1x16xf32> to vector<16xf32>
        %swap3A_294 = vector.shape_cast %get3A_264 : vector<16xf32> to vector<1x16xf32>
        tpu.vector_store %arg10[%swap3A, %swap3A_291], %swap3A_294 {strides = array<i32>} : memref<64x192xf32, #tpu.memory_space<vmem>>, vector<1x16xf32>,
        %swap3A_295 = arith.index_cast %scan3A_290 : i32 to index
        %swap3A_296 = arith.constant 80 : index
        %swap3A_297 = tpu.vector_load %arg10[%swap3A_295, %swap3A_296] {strides = array<i32>} : memref<64x192xf32, #tpu.memory_space<vmem>>, vector<1x16xf32>,
        %swap3A_298 = vector.shape_cast %swap3A_297 : vector<1x16xf32> to vector<16xf32>
        %swap3A_299 = vector.shape_cast %get3A_268 : vector<16xf32> to vector<1x16xf32>
        tpu.vector_store %arg10[%swap3A_295, %swap3A_296], %swap3A_299 {strides = array<i32>} : memref<64x192xf32, #tpu.memory_space<vmem>>, vector<1x16xf32>,
        %swap3A_300 = arith.index_cast %scan3A_290 : i32 to index
        %swap3A_301 = arith.constant 96 : index
        %swap3A_302 = tpu.vector_load %arg10[%swap3A_300, %swap3A_301] {strides = array<i32>} : memref<64x192xf32, #tpu.memory_space<vmem>>, vector<1x16xf32>,
        %swap3A_303 = vector.shape_cast %swap3A_302 : vector<1x16xf32> to vector<16xf32>
        %swap3A_304 = vector.shape_cast %get3A_272 : vector<16xf32> to vector<1x16xf32>
        tpu.vector_store %arg10[%swap3A_300, %swap3A_301], %swap3A_304 {strides = array<i32>} : memref<64x192xf32, #tpu.memory_space<vmem>>, vector<1x16xf32>,
        %swap3A_305 = arith.index_cast %scan3A_290 : i32 to index
        %swap3A_306 = arith.constant 112 : index
        %swap3A_307 = tpu.vector_load %arg10[%swap3A_305, %swap3A_306] {strides = array<i32>} : memref<64x192xf32, #tpu.memory_space<vmem>>, vector<1x16xf32>,
        %swap3A_308 = vector.shape_cast %swap3A_307 : vector<1x16xf32> to vector<16xf32>
        %swap3A_309 = vector.shape_cast %get3A_276 : vector<16xf32> to vector<1x16xf32>
        tpu.vector_store %arg10[%swap3A_305, %swap3A_306], %swap3A_309 {strides = array<i32>} : memref<64x192xf32, #tpu.memory_space<vmem>>, vector<1x16xf32>,
      }
      %scan3A_282 = arith.constant 64 : i32
      %mul3A_283 = arith.constant 64 : i32
      %mul3A_284 = arith.muli %add3A_256, %mul3A_283 : i32
      %add3A_285 = arith.addi %mul3A_32, %mul3A_284 : i32
      %dma_start3A_286 = arith.constant 0 : i32
      %dma_start3A_287 = tpu.memref_slice %arg5[%add3A_285, %dma_start3A_286] : memref<262144x192xf32, #tpu.memory_space<hbm>> -> memref<64x192xf32, #tpu.memory_space<hbm>>
      %dma_start3A_288 = arith.constant 0 : i32
      %dma_start3A_289 = tpu.memref_slice %arg5[%add3A_285, %dma_start3A_288] : memref<262144x192xf32, #tpu.memory_space<hbm>> -> memref<64x192xf32, #tpu.memory_space<hbm>>
      tpu.enqueue_dma source(%arg10 : memref<64x192xf32, #tpu.memory_space<vmem>>) target(%dma_start3A_289 : memref<64x192xf32, #tpu.memory_space<hbm>>) target_semaphore(%arg12 : memref<!tpu.dma_semaphore, #tpu.memory_space<semaphore_mem>>)
    }
    %scan3A_101 = arith.constant 31 : i32
    %dma_wait3A = arith.constant 0 : i32
    %dma_wait3A_102 = tpu.memref_slice %arg5[%mul3A_32, %dma_wait3A] : memref<262144x192xf32, #tpu.memory_space<hbm>> -> memref<64x192xf32, #tpu.memory_space<hbm>>
    %dma_wait3A_103 = arith.constant 0 : i32
    %dma_wait3A_104 = tpu.memref_slice %arg5[%mul3A_32, %dma_wait3A_103] : memref<262144x192xf32, #tpu.memory_space<hbm>> -> memref<64x192xf32, #tpu.memory_space<hbm>>
    tpu.wait_dma2 semaphore(%arg11 : memref<!tpu.dma_semaphore, #tpu.memory_space<semaphore_mem>>) src(%arg9 : memref<64x192xf32, #tpu.memory_space<vmem>>) dst(%dma_wait3A_104 : memref<64x192xf32, #tpu.memory_space<hbm>>)
    %dma_wait3A_105 = arith.constant 0 : i32
    %dma_wait3A_106 = tpu.memref_slice %arg5[%mul3A_32, %dma_wait3A_105] : memref<262144x192xf32, #tpu.memory_space<hbm>> -> memref<64x192xf32, #tpu.memory_space<hbm>>
    %dma_wait3A_107 = arith.constant 0 : i32
    %dma_wait3A_108 = tpu.memref_slice %arg5[%mul3A_32, %dma_wait3A_107] : memref<262144x192xf32, #tpu.memory_space<hbm>> -> memref<64x192xf32, #tpu.memory_space<hbm>>
    tpu.wait_dma2 semaphore(%arg12 : memref<!tpu.dma_semaphore, #tpu.memory_space<semaphore_mem>>) src(%arg10 : memref<64x192xf32, #tpu.memory_space<vmem>>) dst(%dma_wait3A_108 : memref<64x192xf32, #tpu.memory_space<hbm>>)
    %mul3A_109 = arith.constant 2 : i32
    %mul3A_110 = arith.muli %add3A, %mul3A_109 : i32
    %add3A_111 = arith.constant 1 : i32
    %add3A_112 = arith.addi %mul3A_110, %add3A_111 : i32
    %get3A_113 = arith.index_cast %add3A_112 : i32 to index
    %get3A_114 = arith.constant 0 : index
    %get3A_115 = tpu.vector_load %arg6[%get3A_113, %get3A_114] {strides = array<i32>} : memref<64x64xf32, #tpu.memory_space<vmem>>, vector<1x16xf32>,
    %get3A_116 = vector.shape_cast %get3A_115 : vector<1x16xf32> to vector<16xf32>
    %get3A_117 = arith.index_cast %add3A_112 : i32 to index
    %get3A_118 = arith.constant 16 : index
    %get3A_119 = tpu.vector_load %arg6[%get3A_117, %get3A_118] {strides = array<i32>} : memref<64x64xf32, #tpu.memory_space<vmem>>, vector<1x16xf32>,
    %get3A_120 = vector.shape_cast %get3A_119 : vector<1x16xf32> to vector<16xf32>
    %get3A_121 = arith.index_cast %add3A_112 : i32 to index
    %get3A_122 = arith.constant 32 : index
    %get3A_123 = tpu.vector_load %arg6[%get3A_121, %get3A_122] {strides = array<i32>} : memref<64x64xf32, #tpu.memory_space<vmem>>, vector<1x16xf32>,
    %get3A_124 = vector.shape_cast %get3A_123 : vector<1x16xf32> to vector<16xf32>
    %get3A_125 = arith.index_cast %add3A_112 : i32 to index
    %get3A_126 = arith.constant 48 : index
    %get3A_127 = tpu.vector_load %arg6[%get3A_125, %get3A_126] {strides = array<i32>} : memref<64x64xf32, #tpu.memory_space<vmem>>, vector<1x16xf32>,
    %get3A_128 = vector.shape_cast %get3A_127 : vector<1x16xf32> to vector<16xf32>
    %scan3A_129 = arith.constant 0 : i32
    %scan3A_130 = arith.constant 0 : i32
    %scan3A_131 = arith.constant 64 : i32
    %scan3A_132 = arith.addi %scan3A_130, %scan3A_131 : i32
    %scan3A_133 = arith.constant 1 : i32
    scf.for %scan3A_215 = %scan3A_130 to %scan3A_132 step %scan3A_133  : i32 {
      %swap3A = arith.index_cast %scan3A_215 : i32 to index
      %swap3A_216 = arith.constant 0 : index
      %swap3A_217 = tpu.vector_load %arg9[%swap3A, %swap3A_216] {strides = array<i32>} : memref<64x192xf32, #tpu.memory_space<vmem>>, vector<1x16xf32>,
      %swap3A_218 = vector.shape_cast %swap3A_217 : vector<1x16xf32> to vector<16xf32>
      %swap3A_219 = vector.shape_cast %get3A_116 : vector<16xf32> to vector<1x16xf32>
      tpu.vector_store %arg9[%swap3A, %swap3A_216], %swap3A_219 {strides = array<i32>} : memref<64x192xf32, #tpu.memory_space<vmem>>, vector<1x16xf32>,
      %swap3A_220 = arith.index_cast %scan3A_215 : i32 to index
      %swap3A_221 = arith.constant 0 : index
      %swap3A_222 = tpu.vector_load %arg10[%swap3A_220, %swap3A_221] {strides = array<i32>} : memref<64x192xf32, #tpu.memory_space<vmem>>, vector<1x16xf32>,
      %swap3A_223 = vector.shape_cast %swap3A_222 : vector<1x16xf32> to vector<16xf32>
      %swap3A_224 = vector.shape_cast %get3A_116 : vector<16xf32> to vector<1x16xf32>
      tpu.vector_store %arg10[%swap3A_220, %swap3A_221], %swap3A_224 {strides = array<i32>} : memref<64x192xf32, #tpu.memory_space<vmem>>, vector<1x16xf32>,
      %swap3A_225 = arith.index_cast %scan3A_215 : i32 to index
      %swap3A_226 = arith.constant 16 : index
      %swap3A_227 = tpu.vector_load %arg9[%swap3A_225, %swap3A_226] {strides = array<i32>} : memref<64x192xf32, #tpu.memory_space<vmem>>, vector<1x16xf32>,
      %swap3A_228 = vector.shape_cast %swap3A_227 : vector<1x16xf32> to vector<16xf32>
      %swap3A_229 = vector.shape_cast %get3A_120 : vector<16xf32> to vector<1x16xf32>
      tpu.vector_store %arg9[%swap3A_225, %swap3A_226], %swap3A_229 {strides = array<i32>} : memref<64x192xf32, #tpu.memory_space<vmem>>, vector<1x16xf32>,
      %swap3A_230 = arith.index_cast %scan3A_215 : i32 to index
      %swap3A_231 = arith.constant 16 : index
      %swap3A_232 = tpu.vector_load %arg10[%swap3A_230, %swap3A_231] {strides = array<i32>} : memref<64x192xf32, #tpu.memory_space<vmem>>, vector<1x16xf32>,
      %swap3A_233 = vector.shape_cast %swap3A_232 : vector<1x16xf32> to vector<16xf32>
      %swap3A_234 = vector.shape_cast %get3A_120 : vector<16xf32> to vector<1x16xf32>
      tpu.vector_store %arg10[%swap3A_230, %swap3A_231], %swap3A_234 {strides = array<i32>} : memref<64x192xf32, #tpu.memory_space<vmem>>, vector<1x16xf32>,
      %swap3A_235 = arith.index_cast %scan3A_215 : i32 to index
      %swap3A_236 = arith.constant 32 : index
      %swap3A_237 = tpu.vector_load %arg9[%swap3A_235, %swap3A_236] {strides = array<i32>} : memref<64x192xf32, #tpu.memory_space<vmem>>, vector<1x16xf32>,
      %swap3A_238 = vector.shape_cast %swap3A_237 : vector<1x16xf32> to vector<16xf32>
      %swap3A_239 = vector.shape_cast %get3A_124 : vector<16xf32> to vector<1x16xf32>
      tpu.vector_store %arg9[%swap3A_235, %swap3A_236], %swap3A_239 {strides = array<i32>} : memref<64x192xf32, #tpu.memory_space<vmem>>, vector<1x16xf32>,
      %swap3A_240 = arith.index_cast %scan3A_215 : i32 to index
      %swap3A_241 = arith.constant 32 : index
      %swap3A_242 = tpu.vector_load %arg10[%swap3A_240, %swap3A_241] {strides = array<i32>} : memref<64x192xf32, #tpu.memory_space<vmem>>, vector<1x16xf32>,
      %swap3A_243 = vector.shape_cast %swap3A_242 : vector<1x16xf32> to vector<16xf32>
      %swap3A_244 = vector.shape_cast %get3A_124 : vector<16xf32> to vector<1x16xf32>
      tpu.vector_store %arg10[%swap3A_240, %swap3A_241], %swap3A_244 {strides = array<i32>} : memref<64x192xf32, #tpu.memory_space<vmem>>, vector<1x16xf32>,
      %swap3A_245 = arith.index_cast %scan3A_215 : i32 to index
      %swap3A_246 = arith.constant 48 : index
      %swap3A_247 = tpu.vector_load %arg9[%swap3A_245, %swap3A_246] {strides = array<i32>} : memref<64x192xf32, #tpu.memory_space<vmem>>, vector<1x16xf32>,
      %swap3A_248 = vector.shape_cast %swap3A_247 : vector<1x16xf32> to vector<16xf32>
      %swap3A_249 = vector.shape_cast %get3A_128 : vector<16xf32> to vector<1x16xf32>
      tpu.vector_store %arg9[%swap3A_245, %swap3A_246], %swap3A_249 {strides = array<i32>} : memref<64x192xf32, #tpu.memory_space<vmem>>, vector<1x16xf32>,
      %swap3A_250 = arith.index_cast %scan3A_215 : i32 to index
      %swap3A_251 = arith.constant 48 : index
      %swap3A_252 = tpu.vector_load %arg10[%swap3A_250, %swap3A_251] {strides = array<i32>} : memref<64x192xf32, #tpu.memory_space<vmem>>, vector<1x16xf32>,
      %swap3A_253 = vector.shape_cast %swap3A_252 : vector<1x16xf32> to vector<16xf32>
      %swap3A_254 = vector.shape_cast %get3A_128 : vector<16xf32> to vector<1x16xf32>
      tpu.vector_store %arg10[%swap3A_250, %swap3A_251], %swap3A_254 {strides = array<i32>} : memref<64x192xf32, #tpu.memory_space<vmem>>, vector<1x16xf32>,
    }
    %scan3A_134 = arith.constant 64 : i32
    %mul3A_135 = arith.constant 4096 : i32
    %mul3A_136 = arith.muli %add3A_112, %mul3A_135 : i32
    %get3A_137 = arith.constant 0 : i32
    %get3A_138 = arith.index_cast %get3A_137 : i32 to index
    %get3A_139 = arith.constant 0 : index
    %get3A_140 = tpu.vector_load %arg7[%get3A_138, %get3A_139] {strides = array<i32>} : memref<64x64xf32, #tpu.memory_space<vmem>>, vector<1x16xf32>,
    %get3A_141 = vector.shape_cast %get3A_140 : vector<1x16xf32> to vector<16xf32>
    %get3A_142 = arith.constant 0 : i32
    %get3A_143 = arith.index_cast %get3A_142 : i32 to index
    %get3A_144 = arith.constant 16 : index
    %get3A_145 = tpu.vector_load %arg7[%get3A_143, %get3A_144] {strides = array<i32>} : memref<64x64xf32, #tpu.memory_space<vmem>>, vector<1x16xf32>,
    %get3A_146 = vector.shape_cast %get3A_145 : vector<1x16xf32> to vector<16xf32>
    %get3A_147 = arith.constant 0 : i32
    %get3A_148 = arith.index_cast %get3A_147 : i32 to index
    %get3A_149 = arith.constant 32 : index
    %get3A_150 = tpu.vector_load %arg7[%get3A_148, %get3A_149] {strides = array<i32>} : memref<64x64xf32, #tpu.memory_space<vmem>>, vector<1x16xf32>,
    %get3A_151 = vector.shape_cast %get3A_150 : vector<1x16xf32> to vector<16xf32>
    %get3A_152 = arith.constant 0 : i32
    %get3A_153 = arith.index_cast %get3A_152 : i32 to index
    %get3A_154 = arith.constant 48 : index
    %get3A_155 = tpu.vector_load %arg7[%get3A_153, %get3A_154] {strides = array<i32>} : memref<64x64xf32, #tpu.memory_space<vmem>>, vector<1x16xf32>,
    %get3A_156 = vector.shape_cast %get3A_155 : vector<1x16xf32> to vector<16xf32>
    %scan3A_157 = arith.constant 0 : i32
    %scan3A_158 = arith.constant 0 : i32
    %scan3A_159 = arith.constant 64 : i32
    %scan3A_160 = arith.addi %scan3A_158, %scan3A_159 : i32
    %scan3A_161 = arith.constant 1 : i32
    scf.for %scan3A_215 = %scan3A_158 to %scan3A_160 step %scan3A_161  : i32 {
      %swap3A = arith.index_cast %scan3A_215 : i32 to index
      %swap3A_216 = arith.constant 64 : index
      %swap3A_217 = tpu.vector_load %arg9[%swap3A, %swap3A_216] {strides = array<i32>} : memref<64x192xf32, #tpu.memory_space<vmem>>, vector<1x16xf32>,
      %swap3A_218 = vector.shape_cast %swap3A_217 : vector<1x16xf32> to vector<16xf32>
      %swap3A_219 = vector.shape_cast %get3A_141 : vector<16xf32> to vector<1x16xf32>
      tpu.vector_store %arg9[%swap3A, %swap3A_216], %swap3A_219 {strides = array<i32>} : memref<64x192xf32, #tpu.memory_space<vmem>>, vector<1x16xf32>,
      %swap3A_220 = arith.index_cast %scan3A_215 : i32 to index
      %swap3A_221 = arith.constant 80 : index
      %swap3A_222 = tpu.vector_load %arg9[%swap3A_220, %swap3A_221] {strides = array<i32>} : memref<64x192xf32, #tpu.memory_space<vmem>>, vector<1x16xf32>,
      %swap3A_223 = vector.shape_cast %swap3A_222 : vector<1x16xf32> to vector<16xf32>
      %swap3A_224 = vector.shape_cast %get3A_146 : vector<16xf32> to vector<1x16xf32>
      tpu.vector_store %arg9[%swap3A_220, %swap3A_221], %swap3A_224 {strides = array<i32>} : memref<64x192xf32, #tpu.memory_space<vmem>>, vector<1x16xf32>,
      %swap3A_225 = arith.index_cast %scan3A_215 : i32 to index
      %swap3A_226 = arith.constant 96 : index
      %swap3A_227 = tpu.vector_load %arg9[%swap3A_225, %swap3A_226] {strides = array<i32>} : memref<64x192xf32, #tpu.memory_space<vmem>>, vector<1x16xf32>,
      %swap3A_228 = vector.shape_cast %swap3A_227 : vector<1x16xf32> to vector<16xf32>
      %swap3A_229 = vector.shape_cast %get3A_151 : vector<16xf32> to vector<1x16xf32>
      tpu.vector_store %arg9[%swap3A_225, %swap3A_226], %swap3A_229 {strides = array<i32>} : memref<64x192xf32, #tpu.memory_space<vmem>>, vector<1x16xf32>,
      %swap3A_230 = arith.index_cast %scan3A_215 : i32 to index
      %swap3A_231 = arith.constant 112 : index
      %swap3A_232 = tpu.vector_load %arg9[%swap3A_230, %swap3A_231] {strides = array<i32>} : memref<64x192xf32, #tpu.memory_space<vmem>>, vector<1x16xf32>,
      %swap3A_233 = vector.shape_cast %swap3A_232 : vector<1x16xf32> to vector<16xf32>
      %swap3A_234 = vector.shape_cast %get3A_156 : vector<16xf32> to vector<1x16xf32>
      tpu.vector_store %arg9[%swap3A_230, %swap3A_231], %swap3A_234 {strides = array<i32>} : memref<64x192xf32, #tpu.memory_space<vmem>>, vector<1x16xf32>,
    }
    %scan3A_162 = arith.constant 64 : i32
    %add3A_163 = arith.constant 0 : i32
    %add3A_164 = arith.addi %mul3A_136, %add3A_163 : i32
    %dma_start3A_165 = arith.constant 0 : i32
    %dma_start3A_166 = tpu.memref_slice %arg5[%add3A_164, %dma_start3A_165] : memref<262144x192xf32, #tpu.memory_space<hbm>> -> memref<64x192xf32, #tpu.memory_space<hbm>>
    %dma_start3A_167 = arith.constant 0 : i32
    %dma_start3A_168 = tpu.memref_slice %arg5[%add3A_164, %dma_start3A_167] : memref<262144x192xf32, #tpu.memory_space<hbm>> -> memref<64x192xf32, #tpu.memory_space<hbm>>
    tpu.enqueue_dma source(%arg9 : memref<64x192xf32, #tpu.memory_space<vmem>>) target(%dma_start3A_168 : memref<64x192xf32, #tpu.memory_space<hbm>>) target_semaphore(%arg11 : memref<!tpu.dma_semaphore, #tpu.memory_space<semaphore_mem>>)
    %get3A_169 = arith.constant 1 : i32
    %get3A_170 = arith.index_cast %get3A_169 : i32 to index
    %get3A_171 = arith.constant 0 : index
    %get3A_172 = tpu.vector_load %arg7[%get3A_170, %get3A_171] {strides = array<i32>} : memref<64x64xf32, #tpu.memory_space<vmem>>, vector<1x16xf32>,
    %get3A_173 = vector.shape_cast %get3A_172 : vector<1x16xf32> to vector<16xf32>
    %get3A_174 = arith.constant 1 : i32
    %get3A_175 = arith.index_cast %get3A_174 : i32 to index
    %get3A_176 = arith.constant 16 : index
    %get3A_177 = tpu.vector_load %arg7[%get3A_175, %get3A_176] {strides = array<i32>} : memref<64x64xf32, #tpu.memory_space<vmem>>, vector<1x16xf32>,
    %get3A_178 = vector.shape_cast %get3A_177 : vector<1x16xf32> to vector<16xf32>
    %get3A_179 = arith.constant 1 : i32
    %get3A_180 = arith.index_cast %get3A_179 : i32 to index
    %get3A_181 = arith.constant 32 : index
    %get3A_182 = tpu.vector_load %arg7[%get3A_180, %get3A_181] {strides = array<i32>} : memref<64x64xf32, #tpu.memory_space<vmem>>, vector<1x16xf32>,
    %get3A_183 = vector.shape_cast %get3A_182 : vector<1x16xf32> to vector<16xf32>
    %get3A_184 = arith.constant 1 : i32
    %get3A_185 = arith.index_cast %get3A_184 : i32 to index
    %get3A_186 = arith.constant 48 : index
    %get3A_187 = tpu.vector_load %arg7[%get3A_185, %get3A_186] {strides = array<i32>} : memref<64x64xf32, #tpu.memory_space<vmem>>, vector<1x16xf32>,
    %get3A_188 = vector.shape_cast %get3A_187 : vector<1x16xf32> to vector<16xf32>
    %scan3A_189 = arith.constant 0 : i32
    %scan3A_190 = arith.constant 0 : i32
    %scan3A_191 = arith.constant 64 : i32
    %scan3A_192 = arith.addi %scan3A_190, %scan3A_191 : i32
    %scan3A_193 = arith.constant 1 : i32
    scf.for %scan3A_215 = %scan3A_190 to %scan3A_192 step %scan3A_193  : i32 {
      %swap3A = arith.index_cast %scan3A_215 : i32 to index
      %swap3A_216 = arith.constant 64 : index
      %swap3A_217 = tpu.vector_load %arg10[%swap3A, %swap3A_216] {strides = array<i32>} : memref<64x192xf32, #tpu.memory_space<vmem>>, vector<1x16xf32>,
      %swap3A_218 = vector.shape_cast %swap3A_217 : vector<1x16xf32> to vector<16xf32>
      %swap3A_219 = vector.shape_cast %get3A_173 : vector<16xf32> to vector<1x16xf32>
      tpu.vector_store %arg10[%swap3A, %swap3A_216], %swap3A_219 {strides = array<i32>} : memref<64x192xf32, #tpu.memory_space<vmem>>, vector<1x16xf32>,
      %swap3A_220 = arith.index_cast %scan3A_215 : i32 to index
      %swap3A_221 = arith.constant 80 : index
      %swap3A_222 = tpu.vector_load %arg10[%swap3A_220, %swap3A_221] {strides = array<i32>} : memref<64x192xf32, #tpu.memory_space<vmem>>, vector<1x16xf32>,
      %swap3A_223 = vector.shape_cast %swap3A_222 : vector<1x16xf32> to vector<16xf32>
      %swap3A_224 = vector.shape_cast %get3A_178 : vector<16xf32> to vector<1x16xf32>
      tpu.vector_store %arg10[%swap3A_220, %swap3A_221], %swap3A_224 {strides = array<i32>} : memref<64x192xf32, #tpu.memory_space<vmem>>, vector<1x16xf32>,
      %swap3A_225 = arith.index_cast %scan3A_215 : i32 to index
      %swap3A_226 = arith.constant 96 : index
      %swap3A_227 = tpu.vector_load %arg10[%swap3A_225, %swap3A_226] {strides = array<i32>} : memref<64x192xf32, #tpu.memory_space<vmem>>, vector<1x16xf32>,
      %swap3A_228 = vector.shape_cast %swap3A_227 : vector<1x16xf32> to vector<16xf32>
      %swap3A_229 = vector.shape_cast %get3A_183 : vector<16xf32> to vector<1x16xf32>
      tpu.vector_store %arg10[%swap3A_225, %swap3A_226], %swap3A_229 {strides = array<i32>} : memref<64x192xf32, #tpu.memory_space<vmem>>, vector<1x16xf32>,
      %swap3A_230 = arith.index_cast %scan3A_215 : i32 to index
      %swap3A_231 = arith.constant 112 : index
      %swap3A_232 = tpu.vector_load %arg10[%swap3A_230, %swap3A_231] {strides = array<i32>} : memref<64x192xf32, #tpu.memory_space<vmem>>, vector<1x16xf32>,
      %swap3A_233 = vector.shape_cast %swap3A_232 : vector<1x16xf32> to vector<16xf32>
      %swap3A_234 = vector.shape_cast %get3A_188 : vector<16xf32> to vector<1x16xf32>
      tpu.vector_store %arg10[%swap3A_230, %swap3A_231], %swap3A_234 {strides = array<i32>} : memref<64x192xf32, #tpu.memory_space<vmem>>, vector<1x16xf32>,
    }
    %scan3A_194 = arith.constant 64 : i32
    %add3A_195 = arith.constant 64 : i32
    %add3A_196 = arith.addi %mul3A_136, %add3A_195 : i32
    %dma_start3A_197 = arith.constant 0 : i32
    %dma_start3A_198 = tpu.memref_slice %arg5[%add3A_196, %dma_start3A_197] : memref<262144x192xf32, #tpu.memory_space<hbm>> -> memref<64x192xf32, #tpu.memory_space<hbm>>
    %dma_start3A_199 = arith.constant 0 : i32
    %dma_start3A_200 = tpu.memref_slice %arg5[%add3A_196, %dma_start3A_199] : memref<262144x192xf32, #tpu.memory_space<hbm>> -> memref<64x192xf32, #tpu.memory_space<hbm>>
    tpu.enqueue_dma source(%arg10 : memref<64x192xf32, #tpu.memory_space<vmem>>) target(%dma_start3A_200 : memref<64x192xf32, #tpu.memory_space<hbm>>) target_semaphore(%arg12 : memref<!tpu.dma_semaphore, #tpu.memory_space<semaphore_mem>>)
    %scan3A_201 = arith.constant 0 : i32
    %scan3A_202 = arith.constant 1 : i32
    %scan3A_203 = arith.constant 31 : i32
    %scan3A_204 = arith.addi %scan3A_202, %scan3A_203 : i32
    %scan3A_205 = arith.constant 1 : i32
    scf.for %scan3A_215 = %scan3A_202 to %scan3A_204 step %scan3A_205  : i32 {
      %mul3A_216 = arith.constant 2 : i32
      %mul3A_217 = arith.muli %scan3A_215, %mul3A_216 : i32
      %add3A_218 = arith.constant 0 : i32
      %add3A_219 = arith.addi %mul3A_217, %add3A_218 : i32
      %dma_wait3A_220 = arith.constant 0 : i32
      %dma_wait3A_221 = tpu.memref_slice %arg5[%mul3A_136, %dma_wait3A_220] : memref<262144x192xf32, #tpu.memory_space<hbm>> -> memref<64x192xf32, #tpu.memory_space<hbm>>
      %dma_wait3A_222 = arith.constant 0 : i32
      %dma_wait3A_223 = tpu.memref_slice %arg5[%mul3A_136, %dma_wait3A_222] : memref<262144x192xf32, #tpu.memory_space<hbm>> -> memref<64x192xf32, #tpu.memory_space<hbm>>
      tpu.wait_dma2 semaphore(%arg11 : memref<!tpu.dma_semaphore, #tpu.memory_space<semaphore_mem>>) src(%arg9 : memref<64x192xf32, #tpu.memory_space<vmem>>) dst(%dma_wait3A_223 : memref<64x192xf32, #tpu.memory_space<hbm>>)
      %get3A_224 = arith.index_cast %add3A_219 : i32 to index
      %get3A_225 = arith.constant 0 : index
      %get3A_226 = tpu.vector_load %arg7[%get3A_224, %get3A_225] {strides = array<i32>} : memref<64x64xf32, #tpu.memory_space<vmem>>, vector<1x16xf32>,
      %get3A_227 = vector.shape_cast %get3A_226 : vector<1x16xf32> to vector<16xf32>
      %get3A_228 = arith.index_cast %add3A_219 : i32 to index
      %get3A_229 = arith.constant 16 : index
      %get3A_230 = tpu.vector_load %arg7[%get3A_228, %get3A_229] {strides = array<i32>} : memref<64x64xf32, #tpu.memory_space<vmem>>, vector<1x16xf32>,
      %get3A_231 = vector.shape_cast %get3A_230 : vector<1x16xf32> to vector<16xf32>
      %get3A_232 = arith.index_cast %add3A_219 : i32 to index
      %get3A_233 = arith.constant 32 : index
      %get3A_234 = tpu.vector_load %arg7[%get3A_232, %get3A_233] {strides = array<i32>} : memref<64x64xf32, #tpu.memory_space<vmem>>, vector<1x16xf32>,
      %get3A_235 = vector.shape_cast %get3A_234 : vector<1x16xf32> to vector<16xf32>
      %get3A_236 = arith.index_cast %add3A_219 : i32 to index
      %get3A_237 = arith.constant 48 : index
      %get3A_238 = tpu.vector_load %arg7[%get3A_236, %get3A_237] {strides = array<i32>} : memref<64x64xf32, #tpu.memory_space<vmem>>, vector<1x16xf32>,
      %get3A_239 = vector.shape_cast %get3A_238 : vector<1x16xf32> to vector<16xf32>
      %scan3A_240 = arith.constant 0 : i32
      %scan3A_241 = arith.constant 0 : i32
      %scan3A_242 = arith.constant 64 : i32
      %scan3A_243 = arith.addi %scan3A_241, %scan3A_242 : i32
      %scan3A_244 = arith.constant 1 : i32
      scf.for %scan3A_290 = %scan3A_241 to %scan3A_243 step %scan3A_244  : i32 {
        %swap3A = arith.index_cast %scan3A_290 : i32 to index
        %swap3A_291 = arith.constant 64 : index
        %swap3A_292 = tpu.vector_load %arg9[%swap3A, %swap3A_291] {strides = array<i32>} : memref<64x192xf32, #tpu.memory_space<vmem>>, vector<1x16xf32>,
        %swap3A_293 = vector.shape_cast %swap3A_292 : vector<1x16xf32> to vector<16xf32>
        %swap3A_294 = vector.shape_cast %get3A_227 : vector<16xf32> to vector<1x16xf32>
        tpu.vector_store %arg9[%swap3A, %swap3A_291], %swap3A_294 {strides = array<i32>} : memref<64x192xf32, #tpu.memory_space<vmem>>, vector<1x16xf32>,
        %swap3A_295 = arith.index_cast %scan3A_290 : i32 to index
        %swap3A_296 = arith.constant 80 : index
        %swap3A_297 = tpu.vector_load %arg9[%swap3A_295, %swap3A_296] {strides = array<i32>} : memref<64x192xf32, #tpu.memory_space<vmem>>, vector<1x16xf32>,
        %swap3A_298 = vector.shape_cast %swap3A_297 : vector<1x16xf32> to vector<16xf32>
        %swap3A_299 = vector.shape_cast %get3A_231 : vector<16xf32> to vector<1x16xf32>
        tpu.vector_store %arg9[%swap3A_295, %swap3A_296], %swap3A_299 {strides = array<i32>} : memref<64x192xf32, #tpu.memory_space<vmem>>, vector<1x16xf32>,
        %swap3A_300 = arith.index_cast %scan3A_290 : i32 to index
        %swap3A_301 = arith.constant 96 : index
        %swap3A_302 = tpu.vector_load %arg9[%swap3A_300, %swap3A_301] {strides = array<i32>} : memref<64x192xf32, #tpu.memory_space<vmem>>, vector<1x16xf32>,
        %swap3A_303 = vector.shape_cast %swap3A_302 : vector<1x16xf32> to vector<16xf32>
        %swap3A_304 = vector.shape_cast %get3A_235 : vector<16xf32> to vector<1x16xf32>
        tpu.vector_store %arg9[%swap3A_300, %swap3A_301], %swap3A_304 {strides = array<i32>} : memref<64x192xf32, #tpu.memory_space<vmem>>, vector<1x16xf32>,
        %swap3A_305 = arith.index_cast %scan3A_290 : i32 to index
        %swap3A_306 = arith.constant 112 : index
        %swap3A_307 = tpu.vector_load %arg9[%swap3A_305, %swap3A_306] {strides = array<i32>} : memref<64x192xf32, #tpu.memory_space<vmem>>, vector<1x16xf32>,
        %swap3A_308 = vector.shape_cast %swap3A_307 : vector<1x16xf32> to vector<16xf32>
        %swap3A_309 = vector.shape_cast %get3A_239 : vector<16xf32> to vector<1x16xf32>
        tpu.vector_store %arg9[%swap3A_305, %swap3A_306], %swap3A_309 {strides = array<i32>} : memref<64x192xf32, #tpu.memory_space<vmem>>, vector<1x16xf32>,
      }
      %scan3A_245 = arith.constant 64 : i32
      %mul3A_246 = arith.constant 64 : i32
      %mul3A_247 = arith.muli %add3A_219, %mul3A_246 : i32
      %add3A_248 = arith.addi %mul3A_136, %mul3A_247 : i32
      %dma_start3A_249 = arith.constant 0 : i32
      %dma_start3A_250 = tpu.memref_slice %arg5[%add3A_248, %dma_start3A_249] : memref<262144x192xf32, #tpu.memory_space<hbm>> -> memref<64x192xf32, #tpu.memory_space<hbm>>
      %dma_start3A_251 = arith.constant 0 : i32
      %dma_start3A_252 = tpu.memref_slice %arg5[%add3A_248, %dma_start3A_251] : memref<262144x192xf32, #tpu.memory_space<hbm>> -> memref<64x192xf32, #tpu.memory_space<hbm>>
      tpu.enqueue_dma source(%arg9 : memref<64x192xf32, #tpu.memory_space<vmem>>) target(%dma_start3A_252 : memref<64x192xf32, #tpu.memory_space<hbm>>) target_semaphore(%arg11 : memref<!tpu.dma_semaphore, #tpu.memory_space<semaphore_mem>>)
      %mul3A_253 = arith.constant 2 : i32
      %mul3A_254 = arith.muli %scan3A_215, %mul3A_253 : i32
      %add3A_255 = arith.constant 1 : i32
      %add3A_256 = arith.addi %mul3A_254, %add3A_255 : i32
      %dma_wait3A_257 = arith.constant 0 : i32
      %dma_wait3A_258 = tpu.memref_slice %arg5[%mul3A_136, %dma_wait3A_257] : memref<262144x192xf32, #tpu.memory_space<hbm>> -> memref<64x192xf32, #tpu.memory_space<hbm>>
      %dma_wait3A_259 = arith.constant 0 : i32
      %dma_wait3A_260 = tpu.memref_slice %arg5[%mul3A_136, %dma_wait3A_259] : memref<262144x192xf32, #tpu.memory_space<hbm>> -> memref<64x192xf32, #tpu.memory_space<hbm>>
      tpu.wait_dma2 semaphore(%arg12 : memref<!tpu.dma_semaphore, #tpu.memory_space<semaphore_mem>>) src(%arg10 : memref<64x192xf32, #tpu.memory_space<vmem>>) dst(%dma_wait3A_260 : memref<64x192xf32, #tpu.memory_space<hbm>>)
      %get3A_261 = arith.index_cast %add3A_256 : i32 to index
      %get3A_262 = arith.constant 0 : index
      %get3A_263 = tpu.vector_load %arg7[%get3A_261, %get3A_262] {strides = array<i32>} : memref<64x64xf32, #tpu.memory_space<vmem>>, vector<1x16xf32>,
      %get3A_264 = vector.shape_cast %get3A_263 : vector<1x16xf32> to vector<16xf32>
      %get3A_265 = arith.index_cast %add3A_256 : i32 to index
      %get3A_266 = arith.constant 16 : index
      %get3A_267 = tpu.vector_load %arg7[%get3A_265, %get3A_266] {strides = array<i32>} : memref<64x64xf32, #tpu.memory_space<vmem>>, vector<1x16xf32>,
      %get3A_268 = vector.shape_cast %get3A_267 : vector<1x16xf32> to vector<16xf32>
      %get3A_269 = arith.index_cast %add3A_256 : i32 to index
      %get3A_270 = arith.constant 32 : index
      %get3A_271 = tpu.vector_load %arg7[%get3A_269, %get3A_270] {strides = array<i32>} : memref<64x64xf32, #tpu.memory_space<vmem>>, vector<1x16xf32>,
      %get3A_272 = vector.shape_cast %get3A_271 : vector<1x16xf32> to vector<16xf32>
      %get3A_273 = arith.index_cast %add3A_256 : i32 to index
      %get3A_274 = arith.constant 48 : index
      %get3A_275 = tpu.vector_load %arg7[%get3A_273, %get3A_274] {strides = array<i32>} : memref<64x64xf32, #tpu.memory_space<vmem>>, vector<1x16xf32>,
      %get3A_276 = vector.shape_cast %get3A_275 : vector<1x16xf32> to vector<16xf32>
      %scan3A_277 = arith.constant 0 : i32
      %scan3A_278 = arith.constant 0 : i32
      %scan3A_279 = arith.constant 64 : i32
      %scan3A_280 = arith.addi %scan3A_278, %scan3A_279 : i32
      %scan3A_281 = arith.constant 1 : i32
      scf.for %scan3A_290 = %scan3A_278 to %scan3A_280 step %scan3A_281  : i32 {
        %swap3A = arith.index_cast %scan3A_290 : i32 to index
        %swap3A_291 = arith.constant 64 : index
        %swap3A_292 = tpu.vector_load %arg10[%swap3A, %swap3A_291] {strides = array<i32>} : memref<64x192xf32, #tpu.memory_space<vmem>>, vector<1x16xf32>,
        %swap3A_293 = vector.shape_cast %swap3A_292 : vector<1x16xf32> to vector<16xf32>
        %swap3A_294 = vector.shape_cast %get3A_264 : vector<16xf32> to vector<1x16xf32>
        tpu.vector_store %arg10[%swap3A, %swap3A_291], %swap3A_294 {strides = array<i32>} : memref<64x192xf32, #tpu.memory_space<vmem>>, vector<1x16xf32>,
        %swap3A_295 = arith.index_cast %scan3A_290 : i32 to index
        %swap3A_296 = arith.constant 80 : index
        %swap3A_297 = tpu.vector_load %arg10[%swap3A_295, %swap3A_296] {strides = array<i32>} : memref<64x192xf32, #tpu.memory_space<vmem>>, vector<1x16xf32>,
        %swap3A_298 = vector.shape_cast %swap3A_297 : vector<1x16xf32> to vector<16xf32>
        %swap3A_299 = vector.shape_cast %get3A_268 : vector<16xf32> to vector<1x16xf32>
        tpu.vector_store %arg10[%swap3A_295, %swap3A_296], %swap3A_299 {strides = array<i32>} : memref<64x192xf32, #tpu.memory_space<vmem>>, vector<1x16xf32>,
        %swap3A_300 = arith.index_cast %scan3A_290 : i32 to index
        %swap3A_301 = arith.constant 96 : index
        %swap3A_302 = tpu.vector_load %arg10[%swap3A_300, %swap3A_301] {strides = array<i32>} : memref<64x192xf32, #tpu.memory_space<vmem>>, vector<1x16xf32>,
        %swap3A_303 = vector.shape_cast %swap3A_302 : vector<1x16xf32> to vector<16xf32>
        %swap3A_304 = vector.shape_cast %get3A_272 : vector<16xf32> to vector<1x16xf32>
        tpu.vector_store %arg10[%swap3A_300, %swap3A_301], %swap3A_304 {strides = array<i32>} : memref<64x192xf32, #tpu.memory_space<vmem>>, vector<1x16xf32>,
        %swap3A_305 = arith.index_cast %scan3A_290 : i32 to index
        %swap3A_306 = arith.constant 112 : index
        %swap3A_307 = tpu.vector_load %arg10[%swap3A_305, %swap3A_306] {strides = array<i32>} : memref<64x192xf32, #tpu.memory_space<vmem>>, vector<1x16xf32>,
        %swap3A_308 = vector.shape_cast %swap3A_307 : vector<1x16xf32> to vector<16xf32>
        %swap3A_309 = vector.shape_cast %get3A_276 : vector<16xf32> to vector<1x16xf32>
        tpu.vector_store %arg10[%swap3A_305, %swap3A_306], %swap3A_309 {strides = array<i32>} : memref<64x192xf32, #tpu.memory_space<vmem>>, vector<1x16xf32>,
      }
      %scan3A_282 = arith.constant 64 : i32
      %mul3A_283 = arith.constant 64 : i32
      %mul3A_284 = arith.muli %add3A_256, %mul3A_283 : i32
      %add3A_285 = arith.addi %mul3A_136, %mul3A_284 : i32
      %dma_start3A_286 = arith.constant 0 : i32
      %dma_start3A_287 = tpu.memref_slice %arg5[%add3A_285, %dma_start3A_286] : memref<262144x192xf32, #tpu.memory_space<hbm>> -> memref<64x192xf32, #tpu.memory_space<hbm>>
      %dma_start3A_288 = arith.constant 0 : i32
      %dma_start3A_289 = tpu.memref_slice %arg5[%add3A_285, %dma_start3A_288] : memref<262144x192xf32, #tpu.memory_space<hbm>> -> memref<64x192xf32, #tpu.memory_space<hbm>>
      tpu.enqueue_dma source(%arg10 : memref<64x192xf32, #tpu.memory_space<vmem>>) target(%dma_start3A_289 : memref<64x192xf32, #tpu.memory_space<hbm>>) target_semaphore(%arg12 : memref<!tpu.dma_semaphore, #tpu.memory_space<semaphore_mem>>)
    }
    %scan3A_206 = arith.constant 31 : i32
    %dma_wait3A_207 = arith.constant 0 : i32
    %dma_wait3A_208 = tpu.memref_slice %arg5[%mul3A_136, %dma_wait3A_207] : memref<262144x192xf32, #tpu.memory_space<hbm>> -> memref<64x192xf32, #tpu.memory_space<hbm>>
    %dma_wait3A_209 = arith.constant 0 : i32
    %dma_wait3A_210 = tpu.memref_slice %arg5[%mul3A_136, %dma_wait3A_209] : memref<262144x192xf32, #tpu.memory_space<hbm>> -> memref<64x192xf32, #tpu.memory_space<hbm>>
    tpu.wait_dma2 semaphore(%arg11 : memref<!tpu.dma_semaphore, #tpu.memory_space<semaphore_mem>>) src(%arg9 : memref<64x192xf32, #tpu.memory_space<vmem>>) dst(%dma_wait3A_210 : memref<64x192xf32, #tpu.memory_space<hbm>>)
    %dma_wait3A_211 = arith.constant 0 : i32
    %dma_wait3A_212 = tpu.memref_slice %arg5[%mul3A_136, %dma_wait3A_211] : memref<262144x192xf32, #tpu.memory_space<hbm>> -> memref<64x192xf32, #tpu.memory_space<hbm>>
    %dma_wait3A_213 = arith.constant 0 : i32
    %dma_wait3A_214 = tpu.memref_slice %arg5[%mul3A_136, %dma_wait3A_213] : memref<262144x192xf32, #tpu.memory_space<hbm>> -> memref<64x192xf32, #tpu.memory_space<hbm>>
    tpu.wait_dma2 semaphore(%arg12 : memref<!tpu.dma_semaphore, #tpu.memory_space<semaphore_mem>>) src(%arg10 : memref<64x192xf32, #tpu.memory_space<vmem>>) dst(%dma_wait3A_214 : memref<64x192xf32, #tpu.memory_space<hbm>>)
    return
  }
}

</mosaic_0001>

<sc_bundles>
// kernel: kernel.3.cloned.1.call-start
scs
__scs_entry_jumppad:
0x0: {  	(pc) =	sbr.rel $0x88, $3  }
0x1: {  	(tag) =	ssettag $0x0;
	lr =	simm.s32 $0x1  }
0x2: {  	[smem:$0x3F9E] =	sst lr;
	_ =	strace $0xD0000000  }
0x3: {  	_ = 	snop  }
0x4: {  	_ = 	snop  }
0x5: {  	_ = 	snop  }
0x6: {  	_ = 	snop  }
0x7: {  	_ = 	snop  }
__scs_overlays_trampoline_lowered:
0x8: {  	[smem:$0x3FAD] =	sst s0  }
0x9: {  	[smem:$0x3FAE] =	sst s1  }
0xa: {  	[smem:$0x3FAF] =	sst s2  }
0xb: {  	[smem:$0x3FB0] =	sst s3  }
0xc: {  	[smem:$0x3FB1] =	sst s4  }
0xd: {  	[smem:$0x3FB2] =	sst s5  }
0xe: {  	[smem:$0x3FB3] =	sst s6  }
0xf: {  	[smem:$0x3FB4] =	sst s7  }
0x10: {  	[smem:$0x3FB5] =	sst s8  }
0x11: {  	[smem:$0x3FB6] =	sst s9;
	s0 =	simm.s32 @!p0 $0x0  }
0x12: {  	s1 =	sld [smem:$0x3F9C];
	s0 =	simm.s32 @p0 $0x1  }
0x13: {  	[smem:$0x3FB7] =	sst s0;
	s0 =	simm.s32 @!p1 $0x0  }
0x14: {  	s2 =	sld [smem:$0x3F9B];
	s0 =	simm.s32 @p1 $0x1  }
0x15: {  	[smem:$0x3FB8] =	sst s0;
	s0 =	simm.s32 @!p2 $0x0  }
0x16: {  	s3 =	sld [smem:$0x3FDB];
	s0 =	simm.s32 @p2 $0x1  }
0x17: {  	s4 =	simm.s32 $0x1BF5;
	[smem:$0x3FBA] =	sst s0  }
0x18: {  	s0 =	sld [smem:$0x3F9D];
	_ =	swait.ge [sflag:s4], $0x0  }
0x19: {  	s7 =	sld [smem:$0x3F9E]  }
0x1a: {  	s8 =	sadd.s32 $0xFFFFE003, lr  }
0x1b: {  	s9 =	sadd.s32 $0xFFFFFEF7, lr;
	s5 =	simm.s32 $0xFFFFFFFF;
	p2 =	slt.u32 s8, $0xFFFFF086  }
0x1c: {  	p1 =	slt.u32 s9, $0xF7A;
	s5 =	simm.s32 @!p2 $0x0  }
0x1d: {  	s5 =	simm.s32 @p1 $0x1;
	p0 =	seq.s32 s7, s2  }
0x1e: {  	s7 =	smul.u32 @!p0 $0xF7A, s2;
	p2 =	seq.s32 @!p0 s5, $0x0  }
0x1f: {  	s9 =	smul.u32 $0xF7A, s1;
	s8 =	simm.s32 @!p0 $0x1BF5;
	p2 =	por !p2, p0  }
0x20: {  	[sflag:s8] =	ssyncset.s32 @!p0 $0xFFFFF086;
	s6 =	sadd.s32 @!p0 s3, s7;
	s7 =	simm.s32 @!p0 $0x108  }
0x21: {  	s3 =	sadd.s32 s3, s9;
	s6 =	sadd.s32 @!p0 $0x88, s6;
	s7 =	simm.s32 @p2 $0x1082  }
0x22: {  	[simem:s7], [sflag:s8] =	dma.local @!p0 [hbm:s6], $0xF7A  }
0x23: {  	s9 =	sor.u32 $0xD0000000, s2;
	s6 =	simm.s32 $0x108;
	_ =	swait.ge @!p0 [sflag:s8], $0x0  }
0x24: {  	s3 =	sadd.s32 $0x88, s3;
	s6 =	simm.s32 @!p1 $0x1082;
	[sflag:s4] =	ssyncset.s32 $0xFFFFF086  }
0x25: {  	[simem:s6], [sflag:s4] =	dma.local [hbm:s3], $0xF7A  }
0x26: {  	[smem:$0x3F9E] =	sst s1;
	(tag) =	ssettag s2;
	_ =	strace s9  }
0x27: {  	s1 =	sld [smem:$0x3FAE]  }
0x28: {  	s2 =	sld [smem:$0x3FAF]  }
0x29: {  	s4 =	sld [smem:$0x3FB1]  }
0x2a: {  	p0 =	seq.s32 s5, $0x0;
	s5 =	sld [smem:$0x3FB2]  }
0x2b: {  	s6 =	sld [smem:$0x3FB3]  }
0x2c: {  	s7 =	sld [smem:$0x3FB4]  }
0x2d: {  	s3 =	simm.s32 $0x108;
	s8 =	sld [smem:$0x3FB5]  }
0x2e: {  	s3 =	simm.s32 @!p0 $0x1082;
	s9 =	sld [smem:$0x3FB6]  }
0x2f: {  	lr =	sadd.s32 s0, s3;
	s0 =	sld [smem:$0x3FAD]  }
0x30: {  	s3 =	sld [smem:$0x3FB0]  }
0x31: {  	[smem:$0x3FB9] =	sst s10  }
0x32: {  	s10 =	sld [smem:$0x3FB7];
	_ =	sdelay $0x3  }
0x33: {  	p0 =	seq.s32 s10, $0x1;
	s10 =	sld [smem:$0x3FB9];
	_ =	sdelay $0x3  }
0x34: {  	[smem:$0x3FB9] =	sst s10  }
0x35: {  	s10 =	sld [smem:$0x3FB8];
	_ =	sdelay $0x3  }
0x36: {  	p1 =	seq.s32 s10, $0x1;
	s10 =	sld [smem:$0x3FB9];
	_ =	sdelay $0x3  }
0x37: {  	[smem:$0x3FB9] =	sst s10  }
0x38: {  	s10 =	sld [smem:$0x3FBA]  }
0x39: {  	_ = 	snop;
	(pc) =	sbr.ind lr, $3  }
0x3a: {  	_ = 	snop  }
0x3b: {  	_ = 	snop  }
0x3c: {  	p2 =	seq.s32 s10, $0x1;
	s10 =	sld [smem:$0x3FB9]  }
0x3d: {  	_ =	shalt  }
0x3e: {  	_ =	shalt  }
0x3f: {  	_ =	shalt  }
0x40: {  	_ =	shalt  }
0x41: {  	_ =	shalt  }
0x42: {  	_ =	shalt  }
0x43: {  	_ =	shalt  }
0x44: {  	_ =	shalt  }
0x45: {  	_ =	shalt  }
0x46: {  	_ =	shalt  }
0x47: {  	_ =	shalt  }
0x48: {  	_ =	shalt  }
0x49: {  	_ =	shalt  }
0x4a: {  	_ =	shalt  }
0x4b: {  	_ =	shalt  }
0x4c: {  	_ =	shalt  }
0x4d: {  	_ =	shalt  }
0x4e: {  	_ =	shalt  }
0x4f: {  	_ =	shalt  }
0x50: {  	_ =	shalt  }
0x51: {  	_ =	shalt  }
0x52: {  	_ =	shalt  }
0x53: {  	_ =	shalt  }
0x54: {  	_ =	shalt  }
0x55: {  	_ =	shalt  }
0x56: {  	_ =	shalt  }
0x57: {  	_ =	shalt  }
0x58: {  	_ =	shalt  }
0x59: {  	_ =	shalt  }
0x5a: {  	_ =	shalt  }
0x5b: {  	_ =	shalt  }
0x5c: {  	_ =	shalt  }
0x5d: {  	_ =	shalt  }
0x5e: {  	_ =	shalt  }
0x5f: {  	_ =	shalt  }
0x60: {  	_ =	shalt  }
0x61: {  	_ =	shalt  }
0x62: {  	_ =	shalt  }
0x63: {  	_ =	shalt  }
0x64: {  	_ =	shalt  }
0x65: {  	_ =	shalt  }
0x66: {  	_ =	shalt  }
0x67: {  	_ =	shalt  }
0x68: {  	_ =	shalt  }
0x69: {  	_ =	shalt  }
0x6a: {  	_ =	shalt  }
0x6b: {  	_ =	shalt  }
0x6c: {  	_ =	shalt  }
0x6d: {  	_ =	shalt  }
0x6e: {  	_ =	shalt  }
0x6f: {  	_ =	shalt  }
0x70: {  	_ =	shalt  }
0x71: {  	_ =	shalt  }
0x72: {  	_ =	shalt  }
0x73: {  	_ =	shalt  }
0x74: {  	_ =	shalt  }
0x75: {  	_ =	shalt  }
0x76: {  	_ =	shalt  }
0x77: {  	_ =	shalt  }
0x78: {  	_ =	shalt  }
0x79: {  	_ =	shalt  }
0x7a: {  	_ =	shalt  }
0x7b: {  	_ =	shalt  }
0x7c: {  	_ =	shalt  }
0x7d: {  	_ =	shalt  }
0x7e: {  	_ =	shalt  }
0x7f: {  	_ =	shalt  }
0x80: {  	_ =	shalt  }
0x81: {  	_ =	shalt  }
0x82: {  	_ =	shalt  }
0x83: {  	_ =	shalt  }
0x84: {  	_ =	shalt  }
0x85: {  	_ =	shalt  }
0x86: {  	_ =	shalt  }
0x87: {  	_ =	shalt  }
.Lfunc_end0:
.L_simem_size_0:
called_computation.1_lowered:
.L_overlay_start_0:
0x88: {  	s2 =	sld [smem:$0x3FD9]  }
0x89: {  	s3 =	sld [smem:$0x3FFE];
	_ =	sdelay $0x1  }
0x8a: {  	s1 =	srdreg.scid  }
0x8b: {  	s0 =	sand.u32 $0x1, s1  }
0x8c: {  	s17 =	sshll.u32 s0, $0xA;
	s2 =	sadd.s32 s3, s2  }
0x8d: {  	s2 =	sadd.s32 s2, s17  }
0x8e: {  	[smem:$0x3FC5] =	sst s2  }
0x8f: {  	_ = 	snop  }
0x90: {  	s2 =	sld [smem:$0x3FD0];
	(tm) =	ssettm $0x1  }
0x91: {  	s18 =	sld [smem:$0x3FFB];
	_ =	sdelay $0x3  }
0x92: {  	_ =	strace s18  }
0x93: {  	s3 =	sld [smem:$0x3FFC];
	_ =	sdelay $0x3  }
0x94: {  	_ =	strace s3  }
0x95: {  	s3 =	sld [smem:$0x3FFD];
	_ =	sdelay $0x3  }
0x96: {  	_ =	strace s3  }
0x97: {  	_ =	strace $0x8FFFFFFF  }
0x98: {  	s19 =	sld [smem:$0x3FDB];
	_ =	sdelay $0x1  }
0x99: {  	s4 =	simm.s32 $_scs_section_size  }
0x9a: {  	s5 =	simm.s32 $_size__tile_overlayer_lowered;
	s6 =	simm.s32 $_tile_overlayer_lowered  }
0x9b: {  	s22 =	simm.s32 $0x1BFF;
	s21 =	sshll.u32 s6, $0x1;
	s3 =	sadd.s32 s4, s19  }
0x9c: {  	s7 =	simm.s32 $0x0;
	s20 =	sshll.u32 s5, $0x1;
	s5 =	sadd.s32 s21, s3  }
0x9d: {  	[timem:s7], [sflag:s22] =	dma.local [hbm:s5], s20  }
0x9e: {  	_ =	swait.ge [sflag:s22], s20  }
0x9f: {  	s4 =	ssub.s32 $0x0, s20;
	[sflag:s22] =	ssyncset.done $0x0  }
0xa0: {  	[sflag:s22] =	ssyncadd.s32 s4;
	_ =	sdelay $0x1  }
0xa1: {  	s23 =	simm.s32 $0x1B8B  }
0xa2: {  	_ =	swait.ge [sflag:s23], $0x1  }
0xa3: {  	[sflag:s23] =	ssyncset.done $0x0  }
0xa4: {  	s25 =	simm.s32 $0x1B8E;
	s24 =	sld [smem:$0x3FFE];
	[sflag:s23] =	ssyncadd.s32 $0xFFFFFFFF  }
0xa5: {  	s26 =	simm.s32 $execute0_lowered;
	[smem:$0x3FD2] =	sst s25  }
0xa6: {  	s5 =	sshll.u32 s26, $0x1;
	_ =	strace $0x80000046;
	[dreg:$0x1] =	wrdreg $0xFFFFFFFF  }
0xa7: {  	s28 =	simm.s32 $_size_execute0_lowered;
	s3 =	sadd.s32 s3, s5;
	[dreg:$0x0] =	wrdreg $0x0  }
0xa8: {  	s5 =	sshll.u32 s28, $0x1;
	[dreg:$0x2] =	wrdreg s3  }
0xa9: {  	[dreg:$0x3] =	wrdreg s5  }
0xaa: {  	[dreg:$0x4] =	wrdreg $0xC0  }
0xab: {  	_ =	task [dreg:s7], $0x5FFFF  }
0xac: {  	[dreg:$0x1] =	wrdreg $0xFFFFFFFF  }
0xad: {  	[dreg:$0x0] =	wrdreg $0x60  }
0xae: {  	[dreg:$0x2] =	wrdreg s2  }
0xaf: {  	[dreg:$0x3] =	wrdreg s24  }
0xb0: {  	[dreg:$0x4] =	wrdreg $0x9  }
0xb1: {  	_ =	task.clear_ibuf [dreg:s7], $0x5FFFF;
	_ =	strace $0x90000046  }
0xb2: {  	s29 =	simm.s32 $0x9;
	_ =	strace $0x80000048  }
0xb3: {  	_ =	swait.ge [sflag:s29], $0x1  }
0xb4: {  	[sflag:s29] =	ssyncadd.s32 $0xFFFFFFFF  }
0xb5: {  	_ =	strace $0x90000048  }
0xb6: {  	_ =	sfence  }
0xb7: {  	s30 =	sld [smem:$0x0];
	_ =	sdelay $0x2  }
0xb8: {  	s31 =	sshll.u32 s1, $0xD;
	s1 =	sshrl.u32 s1, $0x2  }
0xb9: {  	s3 =	sand.u32 $0x4000, s31;
	s1 =	sadd.s32 s1, s30  }
0xba: {  	s0 =	sor.u32 s3, s0;
	s1 =	sshll.u32 s1, $0x11  }
0xbb: {  	s0 =	sor.u32 s1, s0  }
0xbc: {  	s0 =	sadd.s32 $0x8F2B, s0  }
0xbd: {  	[sflag:s0] =	ssyncadd.remote.s32 $0x1  }
0xbe: {  	_ =	sfence.sel $0xFFFF  }
0xbf: {  	[dreg:$0x0] =	wrdreg $0xFFFFFFFF;
	(pc) =	sbr.abs _section_cstart, $3  }
0xc0: {  	[dreg:$0x1] =	wrdreg $0xFFFFFFFF  }
0xc1: {  	_ =	task.clear_ibuf [dreg:s7], $0x2FFFF;
	_ =	strace $0x9FFFFFFF  }
0xc2: {  	(tm) =	ssettm $0x7FFFFFFF  }
0xc3: {  	_ =	shalt  }
tec
execute0_lowered:
.L_overlay_start_1:
0x0: {  	(tag) =	ssettag $0x1  }
0x1: {  	s1 =	rddreg [dreg:$0x0]  }
0x2: {  	s7 =	rddreg [dreg:$0x1]  }
0x3: {  	s0 =	rddreg [dreg:$0x2]  }
0x4: {  	s3 =	simm.s32 $0x0;
	s4 =	srdreg.scid;
	s2 =	stileid.u32  }
0x5: {  	s15 =	simm.s32 $0x4000;
	s16 =	simm.s32 $0x6000;
	s17 =	simm.s32 $0xA000  }
0x6: {  	s18 =	simm.s32 $0x1;
	s19 =	simm.s32 $0x2;
	s20 =	simm.s32 $0x0  }
0x7: {  	[smem:$0x7FF] =	sst s3;
	s6 =	sand.u32 $0x1, s4;
	s4 =	sadd.s32 $0x800, s7  }
0x8: {  	s9 =	sshll.u32 s2, $0x1;
	s5 =	sadd.s32 $0x1000, s7;
	s11 =	sadd.s32 $0x1800, s7  }
0x9: {  	s13 =	sadd.s32 $0x2000, s7;
	s8 =	ssub.s32 $0x2, s6;
	s9 =	sor.u32 s6, s9  }
0xa: {  	_ =	strace $0x80000047;
	s10 =	sshrl.u32 s8, $0x1;
	s6 =	sshll.u32 s9, $0x8  }
0xb: {  	s31 =	sshll.u32 s9, $0x12;
	s9 =	sshllo.u32 s9, $0x1;
	s12 =	ssub.s32 s8, s10  }
0xc: {  	s7 =	sadd.s32 s11, s31;
	s8 =	sadd.s32 s31, s13;
	s14 =	sshll.u32 s9, $0x11  }
0xd: {  	s9 =	sshll.u32 s9, $0x7;
	s10 =	sadd.s32 s11, s14;
	s11 =	sadd.s32 s14, s13  }
0xe: {  	s12 =	smax.u32 s12, $0x1;
	s13 =	simm.s32 $0x3;
	s14 =	simm.s32 $0x2000  }
.LBB2_1:
0xf: {  	[tilespmem:s3], [sflag:$0x3] =	stream.linear.gather [hbm4b:s1+s3], $0x2000, $0x38;
	[tilespmem:$0xE000] =	vst v63  }
0x10: {  	_ =	swait.ge [sflag:s13], $0x2000  }
0x11: {  	[sflag:s13] =	ssyncset.done $0x0  }
0x12: {  	[sflag:s13] =	ssyncadd.s32 $0xFFFFE000  }
0x13: {  	[tilespmem:s14], [sflag:$0x3] =	stream.linear.gather [hbm4b:s4+s3], $0x2000, $0x38;
	[tilespmem:$0xE000] =	vst v63  }
0x14: {  	_ =	swait.ge [sflag:s13], $0x2000  }
0x15: {  	[sflag:s13] =	ssyncset.done $0x0  }
0x16: {  	[sflag:s13] =	ssyncadd.s32 $0xFFFFE000  }
0x17: {  	[tilespmem:s15], [sflag:$0x3] =	stream.linear.gather [hbm4b:s5+s3], $0x2000, $0x38;
	[tilespmem:$0xE000] =	vst v63  }
0x18: {  	_ =	swait.ge [sflag:s13], $0x2000  }
0x19: {  	[sflag:s13] =	ssyncset.done $0x0  }
0x1a: {  	s21 =	simm.s32 $0x4020;
	[sflag:s13] =	ssyncadd.s32 $0xFFFFE000  }
0x1b: {  	v0 =	vld [tilespmem:s21+$0xFFFFFFE0];
	_ =	sdelay $0x2  }
0x1c: {  	s22 =	sand.u32 $0x3800, s3;
	s23 =	sand.u32 $0x380, s3  }
0x1d: {  	s22 =	sor.u32 s23, s22  }
0x1e: {  	[tilespmem:s22+$0x6400] =	vst v0  }
0x1f: {  	[tilespmem:s22+$0xA400] =	vst v0  }
0x20: {  	v0 =	vld [tilespmem:s21+$0xFFFFFFF0];
	_ =	sdelay $0x4  }
0x21: {  	[tilespmem:s22+$0x6410] =	vst v0  }
0x22: {  	[tilespmem:s22+$0xA410] =	vst v0  }
0x23: {  	v0 =	vld [tilespmem:s21+$0x0];
	_ =	sdelay $0x4  }
0x24: {  	[tilespmem:s22+$0x6420] =	vst v0  }
0x25: {  	[tilespmem:s22+$0xA420] =	vst v0  }
0x26: {  	s24 =	simm.s32 $0x0;
	s23 =	simm.s32 $0x80;
	v0 =	vld [tilespmem:s21+$0x10]  }
.LBB2_2:
0x27: {  	_ = 	snop  }
0x28: {  	p0 =	sne.s32 s23, $0x1F80;
	s24 =	sadd.s32 $0x100, s24;
	s21 =	sadd.s32 $0x80, s21  }
0x29: {  	s25 =	smov.u32 s23;
	s23 =	sadd.s32 $0x80, s23;
	_ =	sdelay $0x1  }
0x2a: {  	[tilespmem:s22+$0x6430] =	vst v0  }
0x2b: {  	[tilespmem:s22+$0xA430] =	vst v0  }
0x2c: {  	v0 =	vld [tilespmem:s21+$0xFFFFFFE0];
	_ =	sdelay $0x2  }
0x2d: {  	s25 =	sand.u32 $0x380, s25;
	s22 =	sand.u32 $0x3800, s24  }
0x2e: {  	s22 =	sor.u32 s25, s22  }
0x2f: {  	[tilespmem:s22+$0x6400] =	vst v0  }
0x30: {  	[tilespmem:s22+$0xA400] =	vst v0  }
0x31: {  	v0 =	vld [tilespmem:s21+$0xFFFFFFF0];
	_ =	sdelay $0x4  }
0x32: {  	[tilespmem:s22+$0x6410] =	vst v0  }
0x33: {  	[tilespmem:s22+$0xA410] =	vst v0  }
0x34: {  	v0 =	vld [tilespmem:s21+$0x0];
	_ =	sdelay $0x2  }
.Ltmp0:
0x35: {  	(pc) =	sbr.rel @p0 .LBB2_2-.Ltmp0, $4  }
0x36: {  	_ = 	snop  }
0x37: {  	[tilespmem:s22+$0x6420] =	vst v0  }
0x38: {  	[tilespmem:s22+$0xA420] =	vst v0  }
0x39: {  	v0 =	vld [tilespmem:s21+$0x10]  }
0x3a: {  	_ =	sdelay $0x3  }
0x3b: {  	[tilespmem:s22+$0x6430] =	vst v0  }
0x3c: {  	[tilespmem:s22+$0xA430] =	vst v0  }
0x3d: {  	v0 =	vld [tilespmem:s6+$0x30]  }
0x3e: {  	v1 =	vld [tilespmem:s6+$0x0]  }
0x3f: {  	s21 =	simm.s32 $0x0  }
0x40: {  	s31 =	sand.u32 $0x3800, s21;
	s21 =	sand.u32 $0x380, s21;
	v2 =	vld [tilespmem:s6+$0x10]  }
0x41: {  	s21 =	sor.u32 s21, s31  }
0x42: {  	v3 =	vld [tilespmem:s6+$0x20];
	[tilespmem:s21+$0xA030] =	vst v0  }
0x43: {  	[tilespmem:s21+$0x6000] =	vst v1  }
0x44: {  	[tilespmem:s21+$0xA000] =	vst v1  }
0x45: {  	[tilespmem:s21+$0x6010] =	vst v2  }
0x46: {  	[tilespmem:s21+$0xA010] =	vst v2  }
0x47: {  	s23 =	simm.s32 $0x100;
	s22 =	simm.s32 $0x80;
	[tilespmem:s21+$0x6020] =	vst v3  }
0x48: {  	s24 =	sand.u32 $0x3800, s23;
	s23 =	simm.s32 $0x200;
	s25 =	sand.u32 $0x380, s22;
	[tilespmem:s21+$0xA020] =	vst v3  }
.LBB2_4:
0x49: {  	p0 =	sne.s32 s23, $0x3F00;
	[tilespmem:s21+$0x6030] =	vst v0;
	s21 =	sor.u32 s25, s24  }
0x4a: {  	[tilespmem:s21+$0xA030] =	vst v0  }
0x4b: {  	[tilespmem:s21+$0x6000] =	vst v1  }
.Ltmp1:
0x4c: {  	[tilespmem:s21+$0xA000] =	vst v1;
	(pc) =	sbr.rel @p0 .LBB2_4-.Ltmp1, $4  }
0x4d: {  	[tilespmem:s21+$0x6010] =	vst v2  }
0x4e: {  	[tilespmem:s21+$0xA010] =	vst v2  }
0x4f: {  	s22 =	sadd.s32 $0x80, s22;
	[tilespmem:s21+$0x6020] =	vst v3  }
0x50: {  	s24 =	sand.u32 $0x3800, s23;
	s23 =	sadd.s32 $0x100, s23;
	s25 =	sand.u32 $0x380, s22;
	[tilespmem:s21+$0xA020] =	vst v3  }
0x51: {  	s22 =	sor.u32 s25, s24;
	[tilespmem:s21+$0x6030] =	vst v0  }
0x52: {  	[tilespmem:s22+$0xA030] =	vst v0  }
0x53: {  	[tilespmem:s22+$0x6000] =	vst v1  }
0x54: {  	[tilespmem:s22+$0xA000] =	vst v1  }
0x55: {  	[tilespmem:s22+$0x6010] =	vst v2  }
0x56: {  	[tilespmem:s22+$0xA010] =	vst v2  }
0x57: {  	[tilespmem:s22+$0x6020] =	vst v3  }
0x58: {  	[tilespmem:s22+$0xA020] =	vst v3  }
0x59: {  	[tilespmem:s22+$0x6030] =	vst v0  }
0x5a: {  	v0 =	vld [tilespmem:$0x2030]  }
0x5b: {  	v1 =	vld [tilespmem:$0x2000]  }
0x5c: {  	s21 =	simm.s32 $0x0;
	v2 =	vld [tilespmem:$0x2010]  }
0x5d: {  	s31 =	sand.u32 $0x3800, s21;
	s23 =	sand.u32 $0x380, s21;
	v3 =	vld [tilespmem:$0x2020]  }
0x5e: {  	s23 =	sor.u32 s23, s31  }
0x5f: {  	[tilespmem:s23+$0x6070] =	vst v0  }
0x60: {  	[tilespmem:s23+$0x6040] =	vst v1  }
0x61: {  	s22 =	simm.s32 $0x100;
	[tilespmem:s23+$0x6050] =	vst v2  }
.LBB2_6:
0x62: {  	s24 =	sand.u32 $0x3800, s22;
	[tilespmem:s23+$0x6060] =	vst v3;
	s21 =	sadd.s32 $0x80, s21;
	p0 =	sne.s32 s22, $0x3F00  }
.Ltmp2:
0x63: {  	s22 =	sadd.s32 $0x100, s22;
	s23 =	sand.u32 $0x380, s21;
	(pc) =	sbr.rel @p0 .LBB2_6-.Ltmp2, $4  }
0x64: {  	s23 =	sor.u32 s23, s24  }
0x65: {  	[tilespmem:s23+$0x6070] =	vst v0  }
0x66: {  	[tilespmem:s23+$0x6040] =	vst v1  }
0x67: {  	[tilespmem:s23+$0x6050] =	vst v2  }
0x68: {  	[tilespmem:s23+$0x6060] =	vst v3;
	s21 =	simm.s32 $0x0  }
0x69: {  	[hbm4b:s7+s21] =	stream.linear.scatter [tilespmem:s16], [sflag:$0x1], $0x4000, $0x38;
	[tilespmem:$0xE000] =	vst v63  }
0x6a: {  	v0 =	vld [tilespmem:$0x20B0]  }
0x6b: {  	v1 =	vld [tilespmem:$0x2080]  }
0x6c: {  	v2 =	vld [tilespmem:$0x2090]  }
0x6d: {  	s22 =	sand.u32 $0x3800, s21;
	s31 =	sand.u32 $0x380, s21;
	v3 =	vld [tilespmem:$0x20A0]  }
0x6e: {  	s23 =	sor.u32 s31, s22  }
0x6f: {  	[tilespmem:s23+$0xA070] =	vst v0  }
0x70: {  	[tilespmem:s23+$0xA040] =	vst v1  }
0x71: {  	s22 =	simm.s32 $0x100;
	[tilespmem:s23+$0xA050] =	vst v2  }
.LBB2_8:
0x72: {  	s24 =	sand.u32 $0x3800, s22;
	[tilespmem:s23+$0xA060] =	vst v3;
	s21 =	sadd.s32 $0x80, s21;
	p0 =	sne.s32 s22, $0x3F00  }
.Ltmp3:
0x73: {  	s22 =	sadd.s32 $0x100, s22;
	s23 =	sand.u32 $0x380, s21;
	(pc) =	sbr.rel @p0 .LBB2_8-.Ltmp3, $4  }
0x74: {  	s23 =	sor.u32 s23, s24  }
0x75: {  	[tilespmem:s23+$0xA070] =	vst v0  }
0x76: {  	[tilespmem:s23+$0xA040] =	vst v1  }
0x77: {  	[tilespmem:s23+$0xA050] =	vst v2  }
0x78: {  	[tilespmem:s23+$0xA060] =	vst v3;
	s21 =	simm.s32 $0x1  }
0x79: {  	[hbm4b:s8+s3] =	stream.linear.scatter [tilespmem:s17], [sflag:$0x2], $0x4000, $0x38;
	[tilespmem:$0xE000] =	vst v63  }
.LBB2_10:
0x7a: {  	_ =	swait.ge [sflag:s18], $0x4000  }
0x7b: {  	s22 =	sshll.u32 s21, $0x8;
	[sflag:s18] =	ssyncset.done $0x0  }
0x7c: {  	s23 =	sand.u32 $0x3FFFFF00, s22;
	[sflag:s18] =	ssyncadd.s32 $0xFFFFC000  }
0x7d: {  	v0 =	vld [tilespmem:s23+$0x2030]  }
0x7e: {  	v1 =	vld [tilespmem:s23+$0x2000]  }
0x7f: {  	s22 =	simm.s32 $0x0;
	v2 =	vld [tilespmem:s23+$0x2010]  }
0x80: {  	s24 =	sand.u32 $0x3800, s22;
	s25 =	sand.u32 $0x380, s22;
	v3 =	vld [tilespmem:s23+$0x2020]  }
0x81: {  	s24 =	sor.u32 s25, s24  }
0x82: {  	[tilespmem:s24+$0x6070] =	vst v0  }
0x83: {  	[tilespmem:s24+$0x6040] =	vst v1  }
0x84: {  	s23 =	simm.s32 $0x100;
	[tilespmem:s24+$0x6050] =	vst v2  }
.LBB2_11:
0x85: {  	s25 =	sand.u32 $0x3800, s23;
	[tilespmem:s24+$0x6060] =	vst v3;
	s22 =	sadd.s32 $0x80, s22;
	p0 =	sne.s32 s23, $0x3F00  }
.Ltmp4:
0x86: {  	s23 =	sadd.s32 $0x100, s23;
	s24 =	sand.u32 $0x380, s22;
	(pc) =	sbr.rel @p0 .LBB2_11-.Ltmp4, $4  }
0x87: {  	s24 =	sor.u32 s24, s25  }
0x88: {  	[tilespmem:s24+$0x6070] =	vst v0  }
0x89: {  	[tilespmem:s24+$0x6040] =	vst v1  }
0x8a: {  	[tilespmem:s24+$0x6050] =	vst v2  }
0x8b: {  	s22 =	sshll.u32 s21, $0xC  }
0x8c: {  	[tilespmem:s24+$0x6060] =	vst v3;
	s23 =	sadd.s32 s22, s7;
	s22 =	simm.s32 $0x0  }
0x8d: {  	[hbm4b:s23+s22] =	stream.linear.scatter [tilespmem:s16], [sflag:$0x1], $0x4000, $0x38;
	[tilespmem:$0xE000] =	vst v63  }
0x8e: {  	s23 =	sshllo.u32 s21, $0x1;
	_ =	swait.ge [sflag:s19], $0x4000  }
0x8f: {  	s31 =	sshll.u32 s23, $0x7;
	[sflag:s19] =	ssyncset.done $0x0  }
0x90: {  	s24 =	sand.u32 $0x3FFFFF80, s31;
	[sflag:s19] =	ssyncadd.s32 $0xFFFFC000  }
0x91: {  	v0 =	vld [tilespmem:s24+$0x2030]  }
0x92: {  	v1 =	vld [tilespmem:s24+$0x2000]  }
0x93: {  	v2 =	vld [tilespmem:s24+$0x2010]  }
0x94: {  	s25 =	sand.u32 $0x3800, s22;
	s26 =	sand.u32 $0x380, s22;
	v3 =	vld [tilespmem:s24+$0x2020]  }
0x95: {  	s25 =	sor.u32 s26, s25  }
0x96: {  	[tilespmem:s25+$0xA070] =	vst v0  }
0x97: {  	[tilespmem:s25+$0xA040] =	vst v1  }
0x98: {  	s24 =	simm.s32 $0x100;
	[tilespmem:s25+$0xA050] =	vst v2  }
.LBB2_13:
0x99: {  	s26 =	sand.u32 $0x3800, s24;
	[tilespmem:s25+$0xA060] =	vst v3;
	s22 =	sadd.s32 $0x80, s22;
	p0 =	sne.s32 s24, $0x3F00  }
.Ltmp5:
0x9a: {  	s24 =	sadd.s32 $0x100, s24;
	s25 =	sand.u32 $0x380, s22;
	(pc) =	sbr.rel @p0 .LBB2_13-.Ltmp5, $4  }
0x9b: {  	s25 =	sor.u32 s25, s26  }
0x9c: {  	[tilespmem:s25+$0xA070] =	vst v0  }
0x9d: {  	[tilespmem:s25+$0xA040] =	vst v1  }
0x9e: {  	[tilespmem:s25+$0xA050] =	vst v2  }
0x9f: {  	s21 =	sadd.s32 $0x1, s21  }
0xa0: {  	p0 =	sne.s32 s21, $0x20  }
.Ltmp6:
0xa1: {  	_ = 	snop;
	(pc) =	sbr.rel @p0 .LBB2_10-.Ltmp6, $4  }
0xa2: {  	_ = 	snop  }
0xa3: {  	s22 =	sshll.u32 s23, $0xB  }
0xa4: {  	[tilespmem:s25+$0xA060] =	vst v3;
	s22 =	sadd.s32 s22, s7  }
0xa5: {  	[hbm4b:s22+s3] =	stream.linear.scatter [tilespmem:s17], [sflag:$0x2], $0x4000, $0x38;
	[tilespmem:$0xE000] =	vst v63  }
0xa6: {  	_ =	swait.ge [sflag:s18], $0x4000  }
0xa7: {  	[sflag:s18] =	ssyncset.done $0x0  }
0xa8: {  	[sflag:s18] =	ssyncadd.s32 $0xFFFFC000  }
0xa9: {  	_ =	swait.ge [sflag:s19], $0x4000  }
0xaa: {  	[sflag:s19] =	ssyncset.done $0x0  }
0xab: {  	[sflag:s19] =	ssyncadd.s32 $0xFFFFC000  }
0xac: {  	v0 =	vld [tilespmem:s9+$0x30]  }
0xad: {  	v1 =	vld [tilespmem:s9+$0x0]  }
0xae: {  	s21 =	simm.s32 $0x0  }
0xaf: {  	s22 =	sand.u32 $0x3800, s21;
	s21 =	sand.u32 $0x380, s21;
	v2 =	vld [tilespmem:s9+$0x10]  }
0xb0: {  	s21 =	sor.u32 s21, s22  }
0xb1: {  	v3 =	vld [tilespmem:s9+$0x20];
	[tilespmem:s21+$0xA030] =	vst v0  }
0xb2: {  	[tilespmem:s21+$0x6000] =	vst v1  }
0xb3: {  	[tilespmem:s21+$0xA000] =	vst v1  }
0xb4: {  	[tilespmem:s21+$0x6010] =	vst v2  }
0xb5: {  	[tilespmem:s21+$0xA010] =	vst v2  }
0xb6: {  	s23 =	simm.s32 $0x100;
	s22 =	simm.s32 $0x80;
	[tilespmem:s21+$0x6020] =	vst v3  }
0xb7: {  	s24 =	sand.u32 $0x3800, s23;
	s23 =	simm.s32 $0x200;
	s25 =	sand.u32 $0x380, s22;
	[tilespmem:s21+$0xA020] =	vst v3  }
.LBB2_16:
0xb8: {  	p0 =	sne.s32 s23, $0x3F00;
	[tilespmem:s21+$0x6030] =	vst v0;
	s21 =	sor.u32 s25, s24  }
0xb9: {  	[tilespmem:s21+$0xA030] =	vst v0  }
0xba: {  	[tilespmem:s21+$0x6000] =	vst v1  }
.Ltmp7:
0xbb: {  	[tilespmem:s21+$0xA000] =	vst v1;
	(pc) =	sbr.rel @p0 .LBB2_16-.Ltmp7, $4  }
0xbc: {  	[tilespmem:s21+$0x6010] =	vst v2  }
0xbd: {  	[tilespmem:s21+$0xA010] =	vst v2  }
0xbe: {  	s22 =	sadd.s32 $0x80, s22;
	[tilespmem:s21+$0x6020] =	vst v3  }
0xbf: {  	s24 =	sand.u32 $0x3800, s23;
	s23 =	sadd.s32 $0x100, s23;
	s25 =	sand.u32 $0x380, s22;
	[tilespmem:s21+$0xA020] =	vst v3  }
0xc0: {  	s22 =	sor.u32 s25, s24;
	[tilespmem:s21+$0x6030] =	vst v0  }
0xc1: {  	[tilespmem:s22+$0xA030] =	vst v0  }
0xc2: {  	[tilespmem:s22+$0x6000] =	vst v1  }
0xc3: {  	[tilespmem:s22+$0xA000] =	vst v1  }
0xc4: {  	[tilespmem:s22+$0x6010] =	vst v2  }
0xc5: {  	[tilespmem:s22+$0xA010] =	vst v2  }
0xc6: {  	[tilespmem:s22+$0x6020] =	vst v3  }
0xc7: {  	[tilespmem:s22+$0xA020] =	vst v3  }
0xc8: {  	[tilespmem:s22+$0x6030] =	vst v0  }
0xc9: {  	v0 =	vld [tilespmem:$0x2030]  }
0xca: {  	v1 =	vld [tilespmem:$0x2000]  }
0xcb: {  	s21 =	simm.s32 $0x0;
	v2 =	vld [tilespmem:$0x2010]  }
0xcc: {  	s31 =	sand.u32 $0x3800, s21;
	s23 =	sand.u32 $0x380, s21;
	v3 =	vld [tilespmem:$0x2020]  }
0xcd: {  	s23 =	sor.u32 s23, s31  }
0xce: {  	[tilespmem:s23+$0x6070] =	vst v0  }
0xcf: {  	[tilespmem:s23+$0x6040] =	vst v1  }
0xd0: {  	s22 =	simm.s32 $0x100;
	[tilespmem:s23+$0x6050] =	vst v2  }
.LBB2_18:
0xd1: {  	s24 =	sand.u32 $0x3800, s22;
	[tilespmem:s23+$0x6060] =	vst v3;
	s21 =	sadd.s32 $0x80, s21;
	p0 =	sne.s32 s22, $0x3F00  }
.Ltmp8:
0xd2: {  	s22 =	sadd.s32 $0x100, s22;
	s23 =	sand.u32 $0x380, s21;
	(pc) =	sbr.rel @p0 .LBB2_18-.Ltmp8, $4  }
0xd3: {  	s23 =	sor.u32 s23, s24  }
0xd4: {  	[tilespmem:s23+$0x6070] =	vst v0  }
0xd5: {  	[tilespmem:s23+$0x6040] =	vst v1  }
0xd6: {  	[tilespmem:s23+$0x6050] =	vst v2  }
0xd7: {  	[tilespmem:s23+$0x6060] =	vst v3;
	s21 =	simm.s32 $0x0  }
0xd8: {  	[hbm4b:s10+s21] =	stream.linear.scatter [tilespmem:s16], [sflag:$0x1], $0x4000, $0x38;
	[tilespmem:$0xE000] =	vst v63  }
0xd9: {  	v0 =	vld [tilespmem:$0x20B0]  }
0xda: {  	v1 =	vld [tilespmem:$0x2080]  }
0xdb: {  	v2 =	vld [tilespmem:$0x2090]  }
0xdc: {  	s22 =	sand.u32 $0x3800, s21;
	s31 =	sand.u32 $0x380, s21;
	v3 =	vld [tilespmem:$0x20A0]  }
0xdd: {  	s23 =	sor.u32 s31, s22  }
0xde: {  	[tilespmem:s23+$0xA070] =	vst v0  }
0xdf: {  	[tilespmem:s23+$0xA040] =	vst v1  }
0xe0: {  	s22 =	simm.s32 $0x100;
	[tilespmem:s23+$0xA050] =	vst v2  }
.LBB2_20:
0xe1: {  	s24 =	sand.u32 $0x3800, s22;
	[tilespmem:s23+$0xA060] =	vst v3;
	s21 =	sadd.s32 $0x80, s21;
	p0 =	sne.s32 s22, $0x3F00  }
.Ltmp9:
0xe2: {  	s22 =	sadd.s32 $0x100, s22;
	s23 =	sand.u32 $0x380, s21;
	(pc) =	sbr.rel @p0 .LBB2_20-.Ltmp9, $4  }
0xe3: {  	s23 =	sor.u32 s23, s24  }
0xe4: {  	[tilespmem:s23+$0xA070] =	vst v0  }
0xe5: {  	[tilespmem:s23+$0xA040] =	vst v1  }
0xe6: {  	[tilespmem:s23+$0xA050] =	vst v2  }
0xe7: {  	[tilespmem:s23+$0xA060] =	vst v3;
	s21 =	simm.s32 $0x1  }
0xe8: {  	[hbm4b:s11+s3] =	stream.linear.scatter [tilespmem:s17], [sflag:$0x2], $0x4000, $0x38;
	[tilespmem:$0xE000] =	vst v63  }
.LBB2_22:
0xe9: {  	_ =	swait.ge [sflag:s18], $0x4000  }
0xea: {  	s22 =	sshll.u32 s21, $0x8;
	[sflag:s18] =	ssyncset.done $0x0  }
0xeb: {  	s23 =	sand.u32 $0x3FFFFF00, s22;
	[sflag:s18] =	ssyncadd.s32 $0xFFFFC000  }
0xec: {  	v0 =	vld [tilespmem:s23+$0x2030]  }
0xed: {  	v1 =	vld [tilespmem:s23+$0x2000]  }
0xee: {  	s22 =	simm.s32 $0x0;
	v2 =	vld [tilespmem:s23+$0x2010]  }
0xef: {  	s24 =	sand.u32 $0x3800, s22;
	s25 =	sand.u32 $0x380, s22;
	v3 =	vld [tilespmem:s23+$0x2020]  }
0xf0: {  	s24 =	sor.u32 s25, s24  }
0xf1: {  	[tilespmem:s24+$0x6070] =	vst v0  }
0xf2: {  	[tilespmem:s24+$0x6040] =	vst v1  }
0xf3: {  	s23 =	simm.s32 $0x100;
	[tilespmem:s24+$0x6050] =	vst v2  }
.LBB2_23:
0xf4: {  	s25 =	sand.u32 $0x3800, s23;
	[tilespmem:s24+$0x6060] =	vst v3;
	s22 =	sadd.s32 $0x80, s22;
	p0 =	sne.s32 s23, $0x3F00  }
.Ltmp10:
0xf5: {  	s23 =	sadd.s32 $0x100, s23;
	s24 =	sand.u32 $0x380, s22;
	(pc) =	sbr.rel @p0 .LBB2_23-.Ltmp10, $4  }
0xf6: {  	s24 =	sor.u32 s24, s25  }
0xf7: {  	[tilespmem:s24+$0x6070] =	vst v0  }
0xf8: {  	[tilespmem:s24+$0x6040] =	vst v1  }
0xf9: {  	[tilespmem:s24+$0x6050] =	vst v2  }
0xfa: {  	s22 =	sshll.u32 s21, $0xC  }
0xfb: {  	[tilespmem:s24+$0x6060] =	vst v3;
	s23 =	sadd.s32 s22, s10;
	s22 =	simm.s32 $0x0  }
0xfc: {  	[hbm4b:s23+s22] =	stream.linear.scatter [tilespmem:s16], [sflag:$0x1], $0x4000, $0x38;
	[tilespmem:$0xE000] =	vst v63  }
0xfd: {  	s23 =	sshllo.u32 s21, $0x1;
	_ =	swait.ge [sflag:s19], $0x4000  }
0xfe: {  	s31 =	sshll.u32 s23, $0x7;
	[sflag:s19] =	ssyncset.done $0x0  }
0xff: {  	s24 =	sand.u32 $0x3FFFFF80, s31;
	[sflag:s19] =	ssyncadd.s32 $0xFFFFC000  }
0x100: {  	v0 =	vld [tilespmem:s24+$0x2030]  }
0x101: {  	v1 =	vld [tilespmem:s24+$0x2000]  }
0x102: {  	v2 =	vld [tilespmem:s24+$0x2010]  }
0x103: {  	s25 =	sand.u32 $0x3800, s22;
	s26 =	sand.u32 $0x380, s22;
	v3 =	vld [tilespmem:s24+$0x2020]  }
0x104: {  	s25 =	sor.u32 s26, s25  }
0x105: {  	[tilespmem:s25+$0xA070] =	vst v0  }
0x106: {  	[tilespmem:s25+$0xA040] =	vst v1  }
0x107: {  	s24 =	simm.s32 $0x100;
	[tilespmem:s25+$0xA050] =	vst v2  }
.LBB2_25:
0x108: {  	s26 =	sand.u32 $0x3800, s24;
	[tilespmem:s25+$0xA060] =	vst v3;
	s22 =	sadd.s32 $0x80, s22;
	p0 =	sne.s32 s24, $0x3F00  }
.Ltmp11:
0x109: {  	s24 =	sadd.s32 $0x100, s24;
	s25 =	sand.u32 $0x380, s22;
	(pc) =	sbr.rel @p0 .LBB2_25-.Ltmp11, $4  }
0x10a: {  	s25 =	sor.u32 s25, s26  }
0x10b: {  	[tilespmem:s25+$0xA070] =	vst v0  }
0x10c: {  	[tilespmem:s25+$0xA040] =	vst v1  }
0x10d: {  	[tilespmem:s25+$0xA050] =	vst v2  }
0x10e: {  	s21 =	sadd.s32 $0x1, s21  }
0x10f: {  	p0 =	sne.s32 s21, $0x20  }
.Ltmp12:
0x110: {  	_ = 	snop;
	(pc) =	sbr.rel @p0 .LBB2_22-.Ltmp12, $4  }
0x111: {  	_ = 	snop  }
0x112: {  	s22 =	sshll.u32 s23, $0xB  }
0x113: {  	[tilespmem:s25+$0xA060] =	vst v3;
	s22 =	sadd.s32 s22, s10  }
0x114: {  	[hbm4b:s22+s3] =	stream.linear.scatter [tilespmem:s17], [sflag:$0x2], $0x4000, $0x38;
	[tilespmem:$0xE000] =	vst v63  }
0x115: {  	s20 =	sadd.s32 $0x1, s20  }
0x116: {  	_ =	swait.ge [sflag:s18], $0x4000;
	p0 =	sne.s32 s20, s12  }
.Ltmp13:
0x117: {  	[sflag:s18] =	ssyncset.done $0x0;
	(pc) =	sbr.rel @p0 .LBB2_1-.Ltmp13, $4  }
0x118: {  	[sflag:s18] =	ssyncadd.s32 $0xFFFFC000  }
0x119: {  	_ =	swait.ge [sflag:s19], $0x4000  }
0x11a: {  	[sflag:s19] =	ssyncset.done $0x0  }
0x11b: {  	[sflag:s19] =	ssyncadd.s32 $0xFFFFC000  }
0x11c: {  	_ =	sfence.sel $0x180000  }
0x11d: {  	[bflag:$0x0] =	sbarrier.arrive $0xFFFF  }
0x11e: {  	p0 =	sne.s32 s2, $0x0;
	_ =	strace $0x90000047  }
0x11f: {  	s0 =	sadd.s32 @!p0 $0x100000, s0;
	[bflag:$0x2] =	sbarrier.arrive $0xFFFF  }
0x120: {  	[sflag:s0] =	ssyncadd.tile.s32 @!p0 $0x1;
	_ =	shalt  }
.Lfunc_end2:
_tile_overlayer_lowered:
.L_overlay_start_2:
0x121: {  	(tag) =	ssettag $0x2  }
0x122: {  	s0 =	rddreg [dreg:$0x0];
	s2 =	stileid.u32  }
0x123: {  	s1 =	rddreg [dreg:$0x1];
	p0 =	sne.s32 s2, $0x0  }
0x124: {  	s3 =	rddreg [dreg:$0x2];
	[bflag:$0x3] =	sbarrier.arrive $0xFFFF;
	s2 =	simm.s32 @!p0 $0x1C03  }
0x125: {  	[timem:s3], [sflag:s2] =	dma.local @!p0 [hbm:s0], s1  }
0x126: {  	s0 =	simm.s32 @!p0 $0x3  }
0x127: {  	_ =	swait.ge @!p0 [sflag:s0], s1  }
0x128: {  	s1 =	ssub.s32 @!p0 $0x0, s1;
	[sflag:s0] =	ssyncset.done @!p0 $0x0  }
0x129: {  	[sflag:s0] =	ssyncadd.s32 @!p0 s1  }
0x12a: {  	[bflag:$0x3] =	sbarrier.arrive $0xFFFF  }
0x12b: {  	_ =	shalt  }

// kernel: sparse-core-data-format-call.cloned.1.call-start
scs
called_computation_lowered:
.L_overlay_start_0:
0x0: {  	s2 =	sld [smem:$0x3FD9]  }
0x1: {  	s3 =	sld [smem:$0x3FFE];
	_ =	sdelay $0x1  }
0x2: {  	s1 =	srdreg.scid  }
0x3: {  	s0 =	sand.u32 $0x1, s1  }
0x4: {  	s18 =	sshll.u32 s0, $0xA;
	s2 =	sadd.s32 s3, s2  }
0x5: {  	s2 =	sadd.s32 s2, s18  }
0x6: {  	[smem:$0x3FC5] =	sst s2  }
0x7: {  	_ = 	snop  }
0x8: {  	s2 =	sld [smem:$0x3FD0];
	(tm) =	ssettm $0x1  }
0x9: {  	s19 =	sld [smem:$0x3FFB];
	_ =	sdelay $0x3  }
0xa: {  	_ =	strace s19  }
0xb: {  	s3 =	sld [smem:$0x3FFC];
	_ =	sdelay $0x3  }
0xc: {  	_ =	strace s3  }
0xd: {  	s3 =	sld [smem:$0x3FFD];
	_ =	sdelay $0x3  }
0xe: {  	_ =	strace s3  }
0xf: {  	_ =	strace $0x8FFFFFFF  }
0x10: {  	s20 =	sld [smem:$0x3FDB];
	_ =	sdelay $0x1  }
0x11: {  	s4 =	simm.s32 $_scs_section_size  }
0x12: {  	s5 =	simm.s32 $_size__tile_overlayer_lowered;
	s6 =	simm.s32 $_tile_overlayer_lowered  }
0x13: {  	s23 =	simm.s32 $0x1BFF;
	s22 =	sshll.u32 s6, $0x1;
	s3 =	sadd.s32 s4, s20  }
0x14: {  	s7 =	simm.s32 $0x0;
	s21 =	sshll.u32 s5, $0x1;
	s5 =	sadd.s32 s22, s3  }
0x15: {  	[timem:s7], [sflag:s23] =	dma.local [hbm:s5], s21  }
0x16: {  	_ =	swait.ge [sflag:s23], s21  }
0x17: {  	s4 =	ssub.s32 $0x0, s21;
	[sflag:s23] =	ssyncset.done $0x0  }
0x18: {  	[sflag:s23] =	ssyncadd.s32 s4;
	_ =	sdelay $0x1  }
0x19: {  	s24 =	simm.s32 $0x1B8B  }
0x1a: {  	_ =	swait.ge [sflag:s24], $0x1  }
0x1b: {  	[sflag:s24] =	ssyncset.done $0x0  }
0x1c: {  	s26 =	simm.s32 $0x1B8E;
	s25 =	sld [smem:$0x3FFE];
	[sflag:s24] =	ssyncadd.s32 $0xFFFFFFFF  }
0x1d: {  	s27 =	simm.s32 $execute0_lowered;
	[smem:$0x3FD2] =	sst s26  }
0x1e: {  	s5 =	sshll.u32 s27, $0x1;
	_ =	strace $0x80000049;
	[dreg:$0x1] =	wrdreg $0xFFFFFFFF  }
0x1f: {  	s28 =	simm.s32 $_size_execute0_lowered;
	s3 =	sadd.s32 s3, s5;
	[dreg:$0x0] =	wrdreg $0x0  }
0x20: {  	s5 =	sshll.u32 s28, $0x1;
	[dreg:$0x2] =	wrdreg s3  }
0x21: {  	[dreg:$0x3] =	wrdreg s5  }
0x22: {  	[dreg:$0x4] =	wrdreg $0xC0  }
0x23: {  	_ =	task [dreg:s7], $0x5FFFF  }
0x24: {  	[dreg:$0x1] =	wrdreg $0xFFFFFFFF  }
0x25: {  	[dreg:$0x0] =	wrdreg $0x60  }
0x26: {  	[dreg:$0x2] =	wrdreg s25  }
0x27: {  	[dreg:$0x3] =	wrdreg s2  }
0x28: {  	[dreg:$0x4] =	wrdreg $0x9  }
0x29: {  	_ =	task.clear_ibuf [dreg:s7], $0x5FFFF;
	_ =	strace $0x90000049  }
0x2a: {  	s29 =	simm.s32 $0x9;
	_ =	strace $0x8000004B  }
0x2b: {  	_ =	swait.ge [sflag:s29], $0x1  }
0x2c: {  	[sflag:s29] =	ssyncadd.s32 $0xFFFFFFFF  }
0x2d: {  	_ =	strace $0x9000004B  }
0x2e: {  	_ =	sfence  }
0x2f: {  	s30 =	sld [smem:$0x0];
	_ =	sdelay $0x2  }
0x30: {  	s31 =	sshll.u32 s1, $0xD;
	s1 =	sshrl.u32 s1, $0x2  }
0x31: {  	s3 =	sand.u32 $0x4000, s31;
	s1 =	sadd.s32 s1, s30  }
0x32: {  	s0 =	sor.u32 s3, s0;
	s1 =	sshll.u32 s1, $0x11  }
0x33: {  	s0 =	sor.u32 s1, s0  }
0x34: {  	s0 =	sadd.s32 $0x8F2B, s0  }
0x35: {  	[sflag:s0] =	ssyncadd.remote.s32 $0x1  }
0x36: {  	_ =	sfence.sel $0xFFFF  }
0x37: {  	[dreg:$0x0] =	wrdreg $0xFFFFFFFF;
	(pc) =	sbr.abs _section_cstart, $3  }
0x38: {  	[dreg:$0x1] =	wrdreg $0xFFFFFFFF  }
0x39: {  	_ =	task.clear_ibuf [dreg:s7], $0x2FFFF;
	_ =	strace $0x9FFFFFFF  }
0x3a: {  	(tm) =	ssettm $0x7FFFFFFF  }
0x3b: {  	_ =	shalt  }
tec
execute0_lowered:
.L_overlay_start_1:
0x0: {  	(tag) =	ssettag $0x1  }
0x1: {  	s5 =	rddreg [dreg:$0x0]  }
0x2: {  	s0 =	srdreg.scid;
	s3 =	rddreg [dreg:$0x1];
	s7 =	simm.s32 $0x1  }
0x3: {  	s8 =	simm.s32 $0x2;
	s15 =	simm.s32 $0x0;
	s1 =	sshll.u32 s0, $0x4  }
0x4: {  	s14 =	simm.s32 $0x0;
	s0 =	stileid.u32;
	s1 =	sand.u32 $0x10, s1  }
0x5: {  	s9 =	simm.s32 $0x0;
	s10 =	simm.s32 $0x0;
	s1 =	sor.u32 s0, s1  }
0x6: {  	s11 =	simm.s32 $0x0;
	s13 =	simm.s32 $0x0;
	s2 =	sshll.u32 s1, $0x7  }
0x7: {  	s5 =	sadd.s32 $0x1800, s5;
	s1 =	rddreg [dreg:$0x2];
	s6 =	ssub.s32 $0x40000, s2  }
.Ltmp0:
0x8: {  	_ =	strace $0x8000004A;
	s4 =	sand.u32 $0xF80, s6;
	(pc) =	sbr.rel .LBB1_1-.Ltmp0, $4  }
0x9: {  	s12 =	smov.u32 s2;
	p0 =	sne.s32 s4, $0x0;
	s4 =	simm.s32 $0x1  }
0xa: {  	s6 =	sshrl.u32 s6, $0xC;
	s7 =	simm.s32 @!p0 $0x0;
	[sflag:s4] =	ssyncpa.u1 $0x0  }
0xb: {  	p0 =	por $0x0, $0x0;
	s7 =	sadd.s32 s7, s6;
	[sflag:s8] =	ssyncpa.u1 $0x0  }
0xc: {  	s8 =	simm.s32 $0x200000;
	s6 =	sshll.u32 s7, $0x1;
	s7 =	sshllo.u32 s7, $0x1  }
.LBB1_4:
0xd: {  	s21 =	sshll.u32 s9, $0x12;
	s22 =	sshll.u32 s10, $0x3;
	s20 =	sshra.s32 s20, $0x2  }
0xe: {  	s28 =	sand.u32 $0x78, s10;
	s29 =	sshll.u32 s9, $0x7;
	p1 =	sgt.s32 s9, $0x40  }
0xf: {  	s25 =	sshra.s32 s9, $0x1F;
	s31 =	sshra.s32 s10, $0x1F;
	s21 =	sand.u32 $0xFFE00000, s21  }
0x10: {  	s23 =	sand.u32 $0xFFFFFC00, s22;
	s19 =	sadd.s32 s20, s19;
	s22 =	sand.u32 $0x3FC00, s22  }
0x11: {  	v5 =	vld [tilespmem:s17+$0xFFFFFFD0];
	[tilespmem:s18+$0x2040 ss:$0x81] =	vst.msk $0xffff, v4;
	s25 =	sand.u32 s25, s9;
	s27 =	sadd.s32 s23, s21;
	s23 =	sand.u32 $0x380, s29  }
0x12: {  	v58 =	vld [tilespmem:s17+$0xFFFFFFE0];
	[tilespmem:s18+$0x2850 ss:$0x81] =	vst.msk $0xffff, v3;
	s21 =	sor.u32 s28, s22;
	s22 =	smov.u32 s9;
	s20 =	sshrl.u32 s27, $0x12  }
0x13: {  	v59 =	vld [tilespmem:s17+$0xFFFFFFF0];
	[tilespmem:s18+$0x3060 ss:$0x81] =	vst.msk $0xffff, v2;
	s22 =	simm.s32 @!p1 $0x40;
	p1 =	sgt.s32 s10, $0x3FF80;
	s24 =	smul.u32 $0x2AAB, s20  }
0x14: {  	v60 =	vld [tilespmem:s17+$0x0];
	[tilespmem:s18+$0x0 ss:$0x81] =	vst.msk $0xffff, v1;
	s21 =	sor.u32 s23, s21;
	s30 =	ssub.s32 s22, s25;
	s22 =	smov.u32 s10  }
0x15: {  	v61 =	vld [tilespmem:s17+$0x10];
	[tilespmem:s19+$0x3870 ss:$0x81] =	vst.msk $0xffff, v0;
	s25 =	sand.u32 s31, s10;
	s22 =	simm.s32 @!p1 $0x3FF80;
	s24 =	sshrl.u32 s24, $0x15  }
0x16: {  	v62 =	vld [tilespmem:s17+$0x20];
	[tilespmem:s19+$0x810 ss:$0x81] =	vst.msk $0xffff, v5;
	s26 =	sadd.s32 $0xFFFFFFC0, s30;
	s22 =	ssub.s32 s22, s25;
	s24 =	smul.u32 $0xC0, s24  }
0x17: {  	v63 =	vld [tilespmem:s17+$0xFFFFFFC0];
	[tilespmem:s19+$0x1020 ss:$0x81] =	vst.msk $0xffff, v58;
	s18 =	ssub.s32 $0xC0, s30;
	p1 =	sgt.s32 s26, $0x7F;
	s28 =	sadd.s32 $0xFFFC0080, s22  }
0x18: {  	[tilespmem:s19+$0x1830 ss:$0x81] =	vst.msk $0xffff, v59;
	p2 =	sgt.s32 s28, $0x7F;
	s27 =	ssub.s32 s20, s24;
	s20 =	ssub.s32 $0x40000, s22  }
0x19: {  	s29 =	sshrl.u32 s21, $0x3;
	[tilespmem:s19+$0x2040 ss:$0x81] =	vst.msk $0xffff, v60;
	s18 =	simm.s32 @p1 $0x0;
	s20 =	simm.s32 @p2 $0x0  }
0x1a: {  	[tilespmem:s19+$0x2850 ss:$0x81] =	vst.msk $0xffff, v61;
	s30 =	sand.u32 $0x7, s10;
	s17 =	sand.u32 $0xFFFF, s27;
	s18 =	smul.u32 s20, s18  }
0x1b: {  	[tilespmem:s19+$0x3060 ss:$0x81] =	vst.msk $0xffff, v62;
	s21 =	sshll.u32 s30, $0x12;
	s17 =	sshll.u32 s17, $0xF;
	s20 =	sadd.s32 s3, s29  }
0x1c: {  	[tilespmem:s19+$0x0 ss:$0x81] =	vst.msk $0xffff, v63;
	s31 =	sor.u32 $0x400, s21;
	s17 =	sadd.s32 s17, s20;
	s18 =	sand.u32 $0x3FFFFFFF, s18  }
0x1d: {  	[hbm4b:s17+s31] =	stream.strided.scatter [tilespmem:s16], [sflag:$0x2], s18, s8, s31, $0x20;
	[tilespmem:$0x10100] =	vst v63  }
.LBB1_5:
0x1e: {  	p1 =	slt.u32 s13, $0x2  }
0x1f: {  	s17 =	smov.u32 s15;
	p2 =	sgt.s32 @!p1 s15, $0x40;
	s16 =	sshra.s32 @!p1 s15, $0x1F  }
0x20: {  	p3 =	sgt.s32 @!p1 s14, $0x3FF80;
	s18 =	sshra.s32 @!p1 s14, $0x1F;
	p2 =	por !p2, p1  }
0x21: {  	s15 =	sand.u32 @!p1 s16, s15;
	p3 =	por !p3, p1;
	s16 =	smov.u32 s14  }
0x22: {  	s14 =	sand.u32 @!p1 s18, s14;
	s17 =	simm.s32 @p2 $0x40;
	s16 =	simm.s32 @p3 $0x3FF80  }
0x23: {  	s15 =	ssub.s32 @!p1 s17, s15;
	s14 =	ssub.s32 @!p1 s16, s14  }
0x24: {  	s18 =	smov.u32 s12;
	s16 =	sadd.s32 @!p1 $0xFFFFFFC0, s15;
	s17 =	sadd.s32 @!p1 $0xFFFC0080, s14  }
0x25: {  	s15 =	ssub.s32 @!p1 $0xC0, s15;
	p2 =	sgt.s32 @!p1 s16, $0x7F;
	p3 =	sgt.s32 @!p1 s17, $0x7F  }
0x26: {  	s14 =	ssub.s32 @!p1 $0x40000, s14;
	p2 =	por !p2, p1;
	p3 =	por !p3, p1  }
0x27: {  	s16 =	sadd.s32 $0x80, s11;
	s15 =	simm.s32 @!p2 $0x0;
	s14 =	simm.s32 @!p3 $0x0  }
0x28: {  	p2 =	sgt.s32 s16, $0xBF;
	s14 =	smul.u32 @!p1 s14, s15;
	s15 =	sadd.s32 $0x1000, s12  }
0x29: {  	s18 =	smov.u32 @p2 s15  }
0x2a: {  	s16 =	simm.s32 @p2 $0x0;
	p2 =	sgt.s32 s18, $0x3FFFF  }
0x2b: {  	s18 =	smov.u32 @p2 s2;
	p2 =	sne.s32 s13, s7  }
.Ltmp1:
0x2c: {  	p0 =	por !p0, !p0;
	s17 =	simm.s32 @!p1 $0x2;
	(pc) =	sbr.rel @!p2 .LBB1_6-.Ltmp1, $4  }
0x2d: {  	s15 =	smov.u32 s9;
	s9 =	smov.u32 s11;
	s14 =	sand.u32 @!p1 $0x3FFFFFFF, s14  }
0x2e: {  	s11 =	smov.u32 s16;
	_ =	swait.ge @!p1 [sflag:s17], s14;
	s19 =	ssub.s32 @!p1 $0x0, s14  }
0x2f: {  	s14 =	smov.u32 s10;
	s13 =	sadd.s32 $0x1, s13;
	[sflag:s17] =	ssyncset.done @!p1 $0x0  }
0x30: {  	s10 =	smov.u32 s12;
	s12 =	smov.u32 s18;
	[sflag:s17] =	ssyncadd.s32 @!p1 s19  }
.LBB1_1:
0x31: {  	p1 =	sge.u32 s13, s6  }
0x32: {  	s31 =	sadd.s32 $0xFFFFFFFF, s13;
	s16 =	sshll.u32 @!p1 s12, $0x8  }
0x33: {  	s17 =	sshll.u32 @!p1 s11, $0x3;
	s18 =	sshll.u32 @!p1 s12, $0x7;
	s16 =	sand.u32 @!p1 $0x3FFF800, s16  }
0x34: {  	s19 =	sand.u32 @!p1 $0x78, s11;
	s16 =	sadd.s32 @!p1 s16, s17;
	s17 =	sand.u32 @!p1 $0x380, s18  }
0x35: {  	s18 =	sxor.u32 @!p1 $0xFFFFFFFF, s13;
	s16 =	sand.u32 @!p1 $0x3FFFC00, s16;
	s17 =	sor.u32 @!p1 s19, s17  }
0x36: {  	s18 =	sshll.u32 @!p1 s18, $0xE;
	s16 =	sor.u32 @!p1 s16, s17;
	s17 =	sand.u32 @!p1 $0x7, s11  }
0x37: {  	s19 =	simm.s32 @!p1 $0x800;
	s16 =	sshrl.u32 @!p1 s16, $0x3;
	s17 =	sshll.u32 @!p1 s17, $0x12  }
0x38: {  	s18 =	sand.u32 @!p1 $0x4000, s18;
	s16 =	sadd.s32 @!p1 s5, s16;
	s17 =	sor.u32 @!p1 $0x400, s17  }
0x39: {  	[tilespmem:s18], [sflag:$0x1] =	stream.strided.gather @!p1 [hbm4b:s16+s17], $0x4000, s19, s17, $0x38;
	[tilespmem:$0x10100] =	vst v63  }
0x3a: {  	p1 =	sge.u32 s31, s6  }
.Ltmp2:
0x3b: {  	_ = 	snop;
	(pc) =	sbr.rel @p1 .LBB1_5-.Ltmp2, $1  }
0x3c: {  	_ =	sdelay $0x3  }
0x3d: {  	s16 =	simm.s32 $0x1  }
0x3e: {  	_ =	swait.ge [sflag:s4], $0x4000;
	s16 =	simm.s32 @!p0 $0x0  }
0x3f: {  	[sflag:s4] =	ssyncset.done $0x0;
	s17 =	sshll.u32 s16, $0xE  }
0x40: {  	[sflag:s4] =	ssyncadd.s32 $0xFFFFC000;
	s17 =	sor.u32 $0x40, s17  }
0x41: {  	s16 =	smul.u32 $0x10200, s16;
	v0 =	vld [tilespmem:s17+$0x30]  }
0x42: {  	v1 =	vld [tilespmem:s17+$0xFFFFFFD0]  }
0x43: {  	s16 =	sshrl.u32 s16, $0x2;
	v5 =	vld [tilespmem:s17+$0xFFFFFFE0]  }
0x44: {  	v6 =	vld [tilespmem:s17+$0xFFFFFFF0];
	s19 =	sor.u32 $0x8000, s16  }
0x45: {  	s31 =	sand.u32 $0x1, s13;
	v4 =	vld [tilespmem:s17+$0x0];
	s18 =	sadd.s32 $0x0, s19  }
0x46: {  	v3 =	vld [tilespmem:s17+$0x10];
	s16 =	smul.u32 $0x10200, s31;
	[tilespmem:s18+$0x3870 ss:$0x81] =	vst.msk $0xffff, v0  }
0x47: {  	v2 =	vld [tilespmem:s17+$0x20];
	[tilespmem:s18+$0x810 ss:$0x81] =	vst.msk $0xffff, v1  }
0x48: {  	s16 =	sshrl.u32 s16, $0x2;
	v1 =	vld [tilespmem:s17+$0xFFFFFFC0];
	[tilespmem:s18+$0x1020 ss:$0x81] =	vst.msk $0xffff, v5;
	s17 =	sadd.s32 $0x80, s17  }
0x49: {  	s20 =	simm.s32 $0x4;
	s21 =	simm.s32 $0x8;
	s16 =	sor.u32 $0x8000, s16;
	[tilespmem:s18+$0x1830 ss:$0x81] =	vst.msk $0xffff, v6;
	v0 =	vld [tilespmem:s17+$0x30]  }
.LBB1_3:
0x4a: {  	p1 =	sne.s32 s21, $0x1FC;
	v5 =	vld [tilespmem:s17+$0xFFFFFFD0];
	[tilespmem:s18+$0x2040 ss:$0x81] =	vst.msk $0xffff, v4  }
0x4b: {  	v6 =	vld [tilespmem:s17+$0xFFFFFFE0];
	[tilespmem:s18+$0x2850 ss:$0x81] =	vst.msk $0xffff, v3  }
0x4c: {  	s22 =	sshra.s32 s20, $0x2;
	s20 =	smov.u32 s21;
	v7 =	vld [tilespmem:s17+$0xFFFFFFF0];
	[tilespmem:s18+$0x3060 ss:$0x81] =	vst.msk $0xffff, v2  }
.Ltmp3:
0x4d: {  	v4 =	vld [tilespmem:s17+$0x0];
	[tilespmem:s18+$0x0 ss:$0x81] =	vst.msk $0xffff, v1;
	s18 =	sadd.s32 s22, s19;
	(pc) =	sbr.rel @p1 .LBB1_3-.Ltmp3, $4  }
0x4e: {  	v3 =	vld [tilespmem:s17+$0x10];
	[tilespmem:s18+$0x3870 ss:$0x81] =	vst.msk $0xffff, v0  }
0x4f: {  	[tilespmem:s18+$0x810 ss:$0x81] =	vst.msk $0xffff, v5;
	v2 =	vld [tilespmem:s17+$0x20]  }
0x50: {  	v1 =	vld [tilespmem:s17+$0xFFFFFFC0];
	[tilespmem:s18+$0x1020 ss:$0x81] =	vst.msk $0xffff, v6;
	s17 =	sadd.s32 $0x80, s17  }
0x51: {  	s21 =	sadd.s32 $0x4, s21;
	v0 =	vld [tilespmem:s17+$0x30];
	[tilespmem:s18+$0x1830 ss:$0x81] =	vst.msk $0xffff, v7  }
.Ltmp4:
0x52: {  	_ = 	snop;
	(pc) =	sbr.rel .LBB1_4-.Ltmp4, $1  }
0x53: {  	_ =	sdelay $0x3  }
.LBB1_6:
0x54: {  	_ =	sfence.sel $0x180000  }
0x55: {  	s2 =	simm.s32 $0x1;
	[bflag:$0x0] =	sbarrier.arrive $0xFFFF  }
0x56: {  	s31 =	simm.s32 $0x2;
	[sflag:s2] =	ssyncpa.u1 $0x1  }
0x57: {  	[sflag:s31] =	ssyncpa.u1 $0x1  }
0x58: {  	p0 =	sne.s32 s0, $0x0;
	_ =	strace $0x9000004A  }
0x59: {  	s0 =	sadd.s32 @!p0 $0x100000, s1;
	[bflag:$0x2] =	sbarrier.arrive $0xFFFF  }
0x5a: {  	[sflag:s0] =	ssyncadd.tile.s32 @!p0 $0x1;
	_ =	shalt  }
.Lfunc_end1:
_tile_overlayer_lowered:
.L_overlay_start_2:
0x5b: {  	(tag) =	ssettag $0x2  }
0x5c: {  	s0 =	rddreg [dreg:$0x0];
	s2 =	stileid.u32  }
0x5d: {  	s1 =	rddreg [dreg:$0x1];
	p0 =	sne.s32 s2, $0x0  }
0x5e: {  	s3 =	rddreg [dreg:$0x2];
	[bflag:$0x3] =	sbarrier.arrive $0xFFFF;
	s2 =	simm.s32 @!p0 $0x1C01  }
0x5f: {  	[timem:s3], [sflag:s2] =	dma.local @!p0 [hbm:s0], s1  }
0x60: {  	s0 =	simm.s32 @!p0 $0x1  }
0x61: {  	_ =	swait.ge @!p0 [sflag:s0], s1  }
0x62: {  	s1 =	ssub.s32 @!p0 $0x0, s1;
	[sflag:s0] =	ssyncset.done @!p0 $0x0  }
0x63: {  	[sflag:s0] =	ssyncadd.s32 @!p0 s1  }
0x64: {  	[bflag:$0x3] =	sbarrier.arrive $0xFFFF  }
0x65: {  	_ =	shalt  }

</sc_bundles>
